<compile_context>
chip_gen: v7x
topology: tpu7x:2x2x1
jax: 0.10.2.dev20260603
libtpu: 0.0.44.dev20260713+nightly
codegen_flags: <defaults>
</compile_context>

<pallas_src>
import functools

import jax
import jax.numpy as jnp
from jax import lax
from jax.experimental import pallas as pl
from jax.experimental.pallas import tpu as pltpu
from jax.experimental.pallas import tpu_sc as plsc

B = 16384
F = 26
V = 100000
D = 32
FD = F * D

NC = 2
NS = 16
NW = NC * NS
RPW = FD // NW
CK = 8192
VG = 16
UNROLL = 16


def _sc_lane_gather(tabT, fmT, featsT):
  mesh = plsc.VectorSubcoreMesh(core_axis_name="c", subcore_axis_name="s")

  @functools.partial(
      pl.kernel,
      mesh=mesh,
      compiler_params=pltpu.CompilerParams(needs_layout_passes=False),
      out_type=[
          jax.ShapeDtypeStruct((FD, B), jnp.float32),
          jax.ShapeDtypeStruct((F, B), jnp.float32),
      ],
      scratch_types=[
          pltpu.VMEM((V,), jnp.float32),
          pltpu.VMEM((B,), jnp.int32),
          pltpu.VMEM((CK,), jnp.float32),
      ],
  )
  def k(tabT_hbm, fmT_hbm, featsT_hbm, xT_out, fm_out, row_v, idx_v, out_v):
    wid = lax.axis_index("s") * NC + lax.axis_index("c")

    def do_row(src_row, dst_row):
      pltpu.sync_copy(src_row, row_v)
      for c in range(B // CK):

        def gbody(g, _, c=c):
          base = c * CK + g * (VG * UNROLL)
          for u in range(UNROLL):
            o = base + u * VG
            iv = idx_v[pl.ds(o, VG)]
            out_v[pl.ds(g * (VG * UNROLL) + u * VG, VG)] = (
                plsc.load_gather(row_v, [iv]))
          return 0

        lax.fori_loop(0, CK // (VG * UNROLL), gbody, 0)
        pltpu.sync_copy(out_v, dst_row.at[pl.ds(c * CK, CK)])

    def rbody(j, f_prev):
      r = wid * RPW + j
      f = r // D

      @pl.when(f != f_prev)
      def _():
        pltpu.sync_copy(featsT_hbm.at[f], idx_v)

      do_row(tabT_hbm.at[r], xT_out.at[r])
      return f

    lax.fori_loop(0, RPW, rbody, jnp.int32(-1))

    @pl.when(wid < F)
    def _():
      pltpu.sync_copy(featsT_hbm.at[wid], idx_v)
      do_row(fmT_hbm.at[wid], fm_out.at[wid])

  return k(tabT, fmT, featsT)


def _dense_body(x_ref, fm_ref, w1, b1, w2, b2, w3, b3, w4, b4, out_ref):
  x = x_ref[...]
  s = x[0:D, :]
  for f in range(1, F):
    s = s + x[f * D:(f + 1) * D, :]
  sq = jnp.sum(s * s, axis=0, keepdims=True)
  ss = jnp.sum(x * x, axis=0, keepdims=True)
  fm_second = 0.5 * (sq - ss)
  fm_first = jnp.sum(fm_ref[...], axis=0, keepdims=True)
  fm_output = fm_first + fm_second
  h = jax.nn.relu(jnp.dot(w1[...], x, preferred_element_type=jnp.float32)
                  + b1[...])
  h = jax.nn.relu(jnp.dot(w2[...], h, preferred_element_type=jnp.float32)
                  + b2[...])
  h = jax.nn.relu(jnp.dot(w3[...], h, preferred_element_type=jnp.float32)
                  + b3[...])
  deep = jax.nn.sigmoid(jnp.dot(w4[...], h, preferred_element_type=jnp.float32)
                        + b4[...])
  out_ref[...] = jax.nn.sigmoid(fm_output + deep)


def _tc_dense(xT, fmv, w1t, b1, w2t, b2, w3t, b3, w4t, b4):
  BN = 4096
  grid = (B // BN,)
  return pl.pallas_call(
      _dense_body,
      grid=grid,
      in_specs=[
          pl.BlockSpec((FD, BN), lambda i: (0, i)),
          pl.BlockSpec((F, BN), lambda i: (0, i)),
          pl.BlockSpec((256, FD), lambda i: (0, 0)),
          pl.BlockSpec((256, 1), lambda i: (0, 0)),
          pl.BlockSpec((128, 256), lambda i: (0, 0)),
          pl.BlockSpec((128, 1), lambda i: (0, 0)),
          pl.BlockSpec((64, 128), lambda i: (0, 0)),
          pl.BlockSpec((64, 1), lambda i: (0, 0)),
          pl.BlockSpec((1, 64), lambda i: (0, 0)),
          pl.BlockSpec((1, 1), lambda i: (0, 0)),
      ],
      out_specs=pl.BlockSpec((1, BN), lambda i: (0, i)),
      out_shape=jax.ShapeDtypeStruct((1, B), jnp.float32),
  )(xT, fmv, w1t, b1, w2t, b2, w3t, b3, w4t, b4)


def kernel(features, tables, fm_tables, W1, b1, W2, b2, W3, b3, W4, b4):
  tabT = tables.transpose(0, 2, 1).reshape(FD, V)
  fmT = fm_tables.reshape(F, V)
  featsT = features.T
  xT, fmv = _sc_lane_gather(tabT, fmT, featsT)
  outT = _tc_dense(xT, fmv,
                   W1.T, b1[:, None], W2.T, b2[:, None],
                   W3.T, b3[:, None], W4.T, b4[:, None])
  return outT.reshape(B, 1)

# --- scband reference (transcript-rebuilt; emitter-appended) ---
"""Pipeline reference for scband-deep-fm-83580063580223 (READ-ONLY COPY).

The authoritative reference and input builder live on the scoring server;
editing this copy changes nothing except your own understanding.
"""

import jax, jax.numpy as jnp
import numpy as np

B = 16384
F = 26
V = 100000
D = 32

def setup_inputs(seed: int = 0) -> dict:
    key = jax.random.key(seed)
    ks = jax.random.split(key, 12)
    features = jax.random.randint(ks[0], (B, F), 0, V, dtype=jnp.int32)
    tables = jax.random.normal(ks[1], (F, V, D), dtype=jnp.float32) * 0.01
    fm_tables = jax.random.normal(ks[2], (F, V, 1), dtype=jnp.float32) * 0.01
    in_dim = F * D
    W1 = jax.random.normal(ks[3], (in_dim, 256), dtype=jnp.float32) / np.sqrt(in_dim)
    b1 = jnp.zeros((256,), dtype=jnp.float32)
    W2 = jax.random.normal(ks[4], (256, 128), dtype=jnp.float32) / np.sqrt(256.0)
    b2 = jnp.zeros((128,), dtype=jnp.float32)
    W3 = jax.random.normal(ks[5], (128, 64), dtype=jnp.float32) / np.sqrt(128.0)
    b3 = jnp.zeros((64,), dtype=jnp.float32)
    W4 = jax.random.normal(ks[6], (64, 1), dtype=jnp.float32) / np.sqrt(64.0)
    b4 = jnp.zeros((1,), dtype=jnp.float32)
    return {"features": features, "tables": tables, "fm_tables": fm_tables,
            "W1": W1, "b1": b1, "W2": W2, "b2": b2, "W3": W3, "b3": b3, "W4": W4, "b4": b4}


def reference(features, tables, fm_tables, W1, b1, W2, b2, W3, b3, W4, b4):
    bsz = features.shape[0]
    field_idx = jnp.arange(F)[None, :]
    # per-field embedding gathers (SparseCore-style table lookups)
    embeds = tables[field_idx, features]          # [B, F, D]
    fm_first = fm_tables[field_idx, features][..., 0]  # [B, F]
    # FM second-order interaction
    square_of_sum = jnp.sum(embeds, axis=1) ** 2   # [B, D]
    sum_of_square = jnp.sum(embeds ** 2, axis=1)   # [B, D]
    fm_second = 0.5 * (square_of_sum - sum_of_square)
    fm_output = jnp.sum(fm_first, axis=1, keepdims=True) + jnp.sum(fm_second, axis=1, keepdims=True)
    # deep MLP (dropout is identity in eval mode)
    deep_input = embeds.reshape(bsz, -1)
    h = jax.nn.relu(deep_input @ W1 + b1)
    h = jax.nn.relu(h @ W2 + b2)
    h = jax.nn.relu(h @ W3 + b3)
    deep_output = jax.nn.sigmoid(h @ W4 + b4)
    output = jax.nn.sigmoid(fm_output + deep_output)
    return output

if __name__ == "__main__":
    import jax
    _d = setup_inputs()
    print(jax.jit(kernel)(*tuple(_d.values())))

</pallas_src>

<mosaic_0001>
#map = affine_map<(d0, d1) -> (0, 0)>
module attributes {stable_mosaic.version = 14 : i64} {
  func.func @k(%arg0: i32, %arg1: i32, %arg2: memref<832x100000xf32, #tpu.memory_space<hbm>>, %arg3: memref<26x100000xf32, #tpu.memory_space<hbm>>, %arg4: memref<26x16384xi32, #tpu.memory_space<hbm>>, %arg5: memref<832x16384xf32, #tpu.memory_space<hbm>>, %arg6: memref<26x16384xf32, #tpu.memory_space<hbm>>, %arg7: memref<100000xf32, #tpu.memory_space<vmem>>, %arg8: memref<16384xi32, #tpu.memory_space<vmem>>, %arg9: memref<8192xf32, #tpu.memory_space<vmem>>) attributes {dimension_semantics = [#tpu.dimension_semantics<core_parallel>, #tpu.dimension_semantics<subcore_parallel>], iteration_bounds = array<i64: 2, 16>, scalar_prefetch = 0 : i64, scratch_operands = 3 : i64, tpu.core_type = #tpu.core_type<sc_vector_subcore>, window_params = [{transform_indices = #map}, {transform_indices = #map}, {transform_indices = #map}, {transform_indices = #map}, {transform_indices = #map}]} {
    %mul3A = arith.constant 2 : i32
    %mul3A_0 = arith.muli %arg1, %mul3A : i32
    %add3A = arith.addi %mul3A_0, %arg0 : i32
    %scan3A = arith.constant -1 : i32
    %scan3A_1 = arith.constant 0 : i32
    %scan3A_2 = arith.constant 26 : i32
    %scan3A_3 = arith.addi %scan3A_1, %scan3A_2 : i32
    %scan3A_4 = arith.constant 1 : i32
    %scan3A_5 = scf.for %scan3A_9 = %scan3A_1 to %scan3A_3 step %scan3A_4 iter_args(%scan3A_10 = %scan3A) -> (i32)  : i32 {
      %mul3A_11 = arith.constant 26 : i32
      %mul3A_12 = arith.muli %add3A, %mul3A_11 : i32
      %add3A_13 = arith.addi %mul3A_12, %scan3A_9 : i32
      %jit3A = arith.constant 32 : i32
      %div3A = arith.divsi %add3A_13, %jit3A : i32
      %sign3A = arith.constant 0 : i32
      %sign3A_14 = arith.cmpi sgt, %add3A_13, %sign3A : i32
      %sign3A_15 = arith.extui %sign3A_14 : i1 to i32
      %sign3A_16 = arith.constant 0 : i32
      %sign3A_17 = arith.cmpi slt, %add3A_13, %sign3A_16 : i32
      %sign3A_18 = arith.extui %sign3A_17 : i1 to i32
      %sign3A_19 = arith.subi %sign3A_15, %sign3A_18 : i32
      %sign3A_20 = arith.constant 0 : i32
      %sign3A_21 = arith.cmpi sgt, %jit3A, %sign3A_20 : i32
      %sign3A_22 = arith.extui %sign3A_21 : i1 to i32
      %sign3A_23 = arith.constant 0 : i32
      %sign3A_24 = arith.cmpi slt, %jit3A, %sign3A_23 : i32
      %sign3A_25 = arith.extui %sign3A_24 : i1 to i32
      %sign3A_26 = arith.subi %sign3A_22, %sign3A_25 : i32
      %ne3A = arith.cmpi ne, %sign3A_19, %sign3A_26 : i32
      %rem3A = arith.remsi %add3A_13, %jit3A : i32
      %ne3A_27 = arith.constant 0 : i32
      %ne3A_28 = arith.cmpi ne, %rem3A, %ne3A_27 : i32
      %and3A = arith.andi %ne3A, %ne3A_28 : i1
      %sub3A = arith.constant 1 : i32
      %sub3A_29 = arith.subi %div3A, %sub3A : i32
      %select_n3A = arith.select %and3A, %sub3A_29, %div3A : i32
      %ne3A_30 = arith.cmpi ne, %select_n3A, %scan3A_10 : i32
      %convert_element_type3A_31 = arith.extui %ne3A_30 : i1 to i32
      %cond3A_32 = arith.constant 0 : i32
      %cond3A_33 = arith.cmpi ne, %convert_element_type3A_31, %cond3A_32 : i32
      scf.if %cond3A_33 {
        "tpu.region"() ({
          %run_scoped3A = tpu.sem_alloc : memref<!tpu.dma_semaphore, #tpu.memory_space<semaphore_mem>>
          %dma_start3A = arith.constant 0 : i32
          %dma_start3A_48 = tpu.memref_slice %arg4[%select_n3A, %dma_start3A] : memref<26x16384xi32, #tpu.memory_space<hbm>> -> memref<1x16384xi32, #tpu.memory_space<hbm>>
          %dma_start3A_49 = tpu.memref_squeeze %dma_start3A_48 : memref<1x16384xi32, #tpu.memory_space<hbm>> -> memref<16384xi32, #tpu.memory_space<hbm>>
          %dma_start3A_50 = arith.constant 0 : i32
          %dma_start3A_51 = tpu.memref_slice %arg4[%select_n3A, %dma_start3A_50] : memref<26x16384xi32, #tpu.memory_space<hbm>> -> memref<1x16384xi32, #tpu.memory_space<hbm>>
          %dma_start3A_52 = tpu.memref_squeeze %dma_start3A_51 : memref<1x16384xi32, #tpu.memory_space<hbm>> -> memref<16384xi32, #tpu.memory_space<hbm>>
          tpu.enqueue_dma source(%dma_start3A_52 : memref<16384xi32, #tpu.memory_space<hbm>>) target(%arg8 : memref<16384xi32, #tpu.memory_space<vmem>>) target_semaphore(%run_scoped3A : memref<!tpu.dma_semaphore, #tpu.memory_space<semaphore_mem>>)
          %dma_wait3A = arith.constant 0 : i32
          %dma_wait3A_53 = tpu.memref_slice %arg4[%select_n3A, %dma_wait3A] : memref<26x16384xi32, #tpu.memory_space<hbm>> -> memref<1x16384xi32, #tpu.memory_space<hbm>>
          %dma_wait3A_54 = tpu.memref_squeeze %dma_wait3A_53 : memref<1x16384xi32, #tpu.memory_space<hbm>> -> memref<16384xi32, #tpu.memory_space<hbm>>
          %dma_wait3A_55 = arith.constant 0 : i32
          %dma_wait3A_56 = tpu.memref_slice %arg4[%select_n3A, %dma_wait3A_55] : memref<26x16384xi32, #tpu.memory_space<hbm>> -> memref<1x16384xi32, #tpu.memory_space<hbm>>
          %dma_wait3A_57 = tpu.memref_squeeze %dma_wait3A_56 : memref<1x16384xi32, #tpu.memory_space<hbm>> -> memref<16384xi32, #tpu.memory_space<hbm>>
          tpu.wait_dma2 semaphore(%run_scoped3A : memref<!tpu.dma_semaphore, #tpu.memory_space<semaphore_mem>>) src(%dma_wait3A_57 : memref<16384xi32, #tpu.memory_space<hbm>>) dst(%arg8 : memref<16384xi32, #tpu.memory_space<vmem>>)
          tpu.yield
        }) : () -> ()
      } else {
      }
      "tpu.region"() ({
        %run_scoped3A = tpu.sem_alloc : memref<!tpu.dma_semaphore, #tpu.memory_space<semaphore_mem>>
        %dma_start3A = arith.constant 0 : i32
        %dma_start3A_48 = tpu.memref_slice %arg2[%add3A_13, %dma_start3A] : memref<832x100000xf32, #tpu.memory_space<hbm>> -> memref<1x100000xf32, #tpu.memory_space<hbm>>
        %dma_start3A_49 = tpu.memref_squeeze %dma_start3A_48 : memref<1x100000xf32, #tpu.memory_space<hbm>> -> memref<100000xf32, #tpu.memory_space<hbm>>
        %dma_start3A_50 = arith.constant 0 : i32
        %dma_start3A_51 = tpu.memref_slice %arg2[%add3A_13, %dma_start3A_50] : memref<832x100000xf32, #tpu.memory_space<hbm>> -> memref<1x100000xf32, #tpu.memory_space<hbm>>
        %dma_start3A_52 = tpu.memref_squeeze %dma_start3A_51 : memref<1x100000xf32, #tpu.memory_space<hbm>> -> memref<100000xf32, #tpu.memory_space<hbm>>
        tpu.enqueue_dma source(%dma_start3A_52 : memref<100000xf32, #tpu.memory_space<hbm>>) target(%arg7 : memref<100000xf32, #tpu.memory_space<vmem>>) target_semaphore(%run_scoped3A : memref<!tpu.dma_semaphore, #tpu.memory_space<semaphore_mem>>)
        %dma_wait3A = arith.constant 0 : i32
        %dma_wait3A_53 = tpu.memref_slice %arg2[%add3A_13, %dma_wait3A] : memref<832x100000xf32, #tpu.memory_space<hbm>> -> memref<1x100000xf32, #tpu.memory_space<hbm>>
        %dma_wait3A_54 = tpu.memref_squeeze %dma_wait3A_53 : memref<1x100000xf32, #tpu.memory_space<hbm>> -> memref<100000xf32, #tpu.memory_space<hbm>>
        %dma_wait3A_55 = arith.constant 0 : i32
        %dma_wait3A_56 = tpu.memref_slice %arg2[%add3A_13, %dma_wait3A_55] : memref<832x100000xf32, #tpu.memory_space<hbm>> -> memref<1x100000xf32, #tpu.memory_space<hbm>>
        %dma_wait3A_57 = tpu.memref_squeeze %dma_wait3A_56 : memref<1x100000xf32, #tpu.memory_space<hbm>> -> memref<100000xf32, #tpu.memory_space<hbm>>
        tpu.wait_dma2 semaphore(%run_scoped3A : memref<!tpu.dma_semaphore, #tpu.memory_space<semaphore_mem>>) src(%dma_wait3A_57 : memref<100000xf32, #tpu.memory_space<hbm>>) dst(%arg7 : memref<100000xf32, #tpu.memory_space<vmem>>)
        tpu.yield
      }) : () -> ()
      %scan3A_34 = arith.constant 0 : i32
      %scan3A_35 = arith.constant 0 : i32
      %scan3A_36 = arith.constant 32 : i32
      %scan3A_37 = arith.addi %scan3A_35, %scan3A_36 : i32
      %scan3A_38 = arith.constant 1 : i32
      %scan3A_39 = scf.for %scan3A_48 = %scan3A_35 to %scan3A_37 step %scan3A_38 iter_args(%scan3A_49 = %scan3A_34) -> (i32)  : i32 {
        %mul3A_50 = arith.constant 256 : i32
        %mul3A_51 = arith.muli %scan3A_48, %mul3A_50 : i32
        %add3A_52 = arith.constant 0 : i32
        %add3A_53 = arith.addi %add3A_52, %mul3A_51 : i32
        %add3A_54 = arith.constant 0 : i32
        %add3A_55 = arith.addi %add3A_53, %add3A_54 : i32
        %get3A = arith.index_cast %add3A_55 : i32 to index
        %get3A_56 = tpu.vector_load %arg8[%get3A] {strides = array<i32>} : memref<16384xi32, #tpu.memory_space<vmem>>, vector<16xi32>,
        %gather3A = tpu.vector_load_idx %arg7[%get3A_56] : memref<100000xf32, #tpu.memory_space<vmem>>[vector<16xi32>], vector<16xf32>,
        %mul3A_57 = arith.constant 256 : i32
        %mul3A_58 = arith.muli %scan3A_48, %mul3A_57 : i32
        %add3A_59 = arith.constant 0 : i32
        %add3A_60 = arith.addi %mul3A_58, %add3A_59 : i32
        %swap3A = arith.index_cast %add3A_60 : i32 to index
        %swap3A_61 = tpu.vector_load %arg9[%swap3A] {strides = array<i32>} : memref<8192xf32, #tpu.memory_space<vmem>>, vector<16xf32>,
        tpu.vector_store %arg9[%swap3A], %gather3A {strides = array<i32>} : memref<8192xf32, #tpu.memory_space<vmem>>, vector<16xf32>,
        %add3A_62 = arith.constant 16 : i32
        %add3A_63 = arith.addi %add3A_53, %add3A_62 : i32
        %get3A_64 = arith.index_cast %add3A_63 : i32 to index
        %get3A_65 = tpu.vector_load %arg8[%get3A_64] {strides = array<i32>} : memref<16384xi32, #tpu.memory_space<vmem>>, vector<16xi32>,
        %gather3A_66 = tpu.vector_load_idx %arg7[%get3A_65] : memref<100000xf32, #tpu.memory_space<vmem>>[vector<16xi32>], vector<16xf32>,
        %mul3A_67 = arith.constant 256 : i32
        %mul3A_68 = arith.muli %scan3A_48, %mul3A_67 : i32
        %add3A_69 = arith.constant 16 : i32
        %add3A_70 = arith.addi %mul3A_68, %add3A_69 : i32
        %swap3A_71 = arith.index_cast %add3A_70 : i32 to index
        %swap3A_72 = tpu.vector_load %arg9[%swap3A_71] {strides = array<i32>} : memref<8192xf32, #tpu.memory_space<vmem>>, vector<16xf32>,
        tpu.vector_store %arg9[%swap3A_71], %gather3A_66 {strides = array<i32>} : memref<8192xf32, #tpu.memory_space<vmem>>, vector<16xf32>,
        %add3A_73 = arith.constant 32 : i32
        %add3A_74 = arith.addi %add3A_53, %add3A_73 : i32
        %get3A_75 = arith.index_cast %add3A_74 : i32 to index
        %get3A_76 = tpu.vector_load %arg8[%get3A_75] {strides = array<i32>} : memref<16384xi32, #tpu.memory_space<vmem>>, vector<16xi32>,
        %gather3A_77 = tpu.vector_load_idx %arg7[%get3A_76] : memref<100000xf32, #tpu.memory_space<vmem>>[vector<16xi32>], vector<16xf32>,
        %mul3A_78 = arith.constant 256 : i32
        %mul3A_79 = arith.muli %scan3A_48, %mul3A_78 : i32
        %add3A_80 = arith.constant 32 : i32
        %add3A_81 = arith.addi %mul3A_79, %add3A_80 : i32
        %swap3A_82 = arith.index_cast %add3A_81 : i32 to index
        %swap3A_83 = tpu.vector_load %arg9[%swap3A_82] {strides = array<i32>} : memref<8192xf32, #tpu.memory_space<vmem>>, vector<16xf32>,
        tpu.vector_store %arg9[%swap3A_82], %gather3A_77 {strides = array<i32>} : memref<8192xf32, #tpu.memory_space<vmem>>, vector<16xf32>,
        %add3A_84 = arith.constant 48 : i32
        %add3A_85 = arith.addi %add3A_53, %add3A_84 : i32
        %get3A_86 = arith.index_cast %add3A_85 : i32 to index
        %get3A_87 = tpu.vector_load %arg8[%get3A_86] {strides = array<i32>} : memref<16384xi32, #tpu.memory_space<vmem>>, vector<16xi32>,
        %gather3A_88 = tpu.vector_load_idx %arg7[%get3A_87] : memref<100000xf32, #tpu.memory_space<vmem>>[vector<16xi32>], vector<16xf32>,
        %mul3A_89 = arith.constant 256 : i32
        %mul3A_90 = arith.muli %scan3A_48, %mul3A_89 : i32
        %add3A_91 = arith.constant 48 : i32
        %add3A_92 = arith.addi %mul3A_90, %add3A_91 : i32
        %swap3A_93 = arith.index_cast %add3A_92 : i32 to index
        %swap3A_94 = tpu.vector_load %arg9[%swap3A_93] {strides = array<i32>} : memref<8192xf32, #tpu.memory_space<vmem>>, vector<16xf32>,
        tpu.vector_store %arg9[%swap3A_93], %gather3A_88 {strides = array<i32>} : memref<8192xf32, #tpu.memory_space<vmem>>, vector<16xf32>,
        %add3A_95 = arith.constant 64 : i32
        %add3A_96 = arith.addi %add3A_53, %add3A_95 : i32
        %get3A_97 = arith.index_cast %add3A_96 : i32 to index
        %get3A_98 = tpu.vector_load %arg8[%get3A_97] {strides = array<i32>} : memref<16384xi32, #tpu.memory_space<vmem>>, vector<16xi32>,
        %gather3A_99 = tpu.vector_load_idx %arg7[%get3A_98] : memref<100000xf32, #tpu.memory_space<vmem>>[vector<16xi32>], vector<16xf32>,
        %mul3A_100 = arith.constant 256 : i32
        %mul3A_101 = arith.muli %scan3A_48, %mul3A_100 : i32
        %add3A_102 = arith.constant 64 : i32
        %add3A_103 = arith.addi %mul3A_101, %add3A_102 : i32
        %swap3A_104 = arith.index_cast %add3A_103 : i32 to index
        %swap3A_105 = tpu.vector_load %arg9[%swap3A_104] {strides = array<i32>} : memref<8192xf32, #tpu.memory_space<vmem>>, vector<16xf32>,
        tpu.vector_store %arg9[%swap3A_104], %gather3A_99 {strides = array<i32>} : memref<8192xf32, #tpu.memory_space<vmem>>, vector<16xf32>,
        %add3A_106 = arith.constant 80 : i32
        %add3A_107 = arith.addi %add3A_53, %add3A_106 : i32
        %get3A_108 = arith.index_cast %add3A_107 : i32 to index
        %get3A_109 = tpu.vector_load %arg8[%get3A_108] {strides = array<i32>} : memref<16384xi32, #tpu.memory_space<vmem>>, vector<16xi32>,
        %gather3A_110 = tpu.vector_load_idx %arg7[%get3A_109] : memref<100000xf32, #tpu.memory_space<vmem>>[vector<16xi32>], vector<16xf32>,
        %mul3A_111 = arith.constant 256 : i32
        %mul3A_112 = arith.muli %scan3A_48, %mul3A_111 : i32
        %add3A_113 = arith.constant 80 : i32
        %add3A_114 = arith.addi %mul3A_112, %add3A_113 : i32
        %swap3A_115 = arith.index_cast %add3A_114 : i32 to index
        %swap3A_116 = tpu.vector_load %arg9[%swap3A_115] {strides = array<i32>} : memref<8192xf32, #tpu.memory_space<vmem>>, vector<16xf32>,
        tpu.vector_store %arg9[%swap3A_115], %gather3A_110 {strides = array<i32>} : memref<8192xf32, #tpu.memory_space<vmem>>, vector<16xf32>,
        %add3A_117 = arith.constant 96 : i32
        %add3A_118 = arith.addi %add3A_53, %add3A_117 : i32
        %get3A_119 = arith.index_cast %add3A_118 : i32 to index
        %get3A_120 = tpu.vector_load %arg8[%get3A_119] {strides = array<i32>} : memref<16384xi32, #tpu.memory_space<vmem>>, vector<16xi32>,
        %gather3A_121 = tpu.vector_load_idx %arg7[%get3A_120] : memref<100000xf32, #tpu.memory_space<vmem>>[vector<16xi32>], vector<16xf32>,
        %mul3A_122 = arith.constant 256 : i32
        %mul3A_123 = arith.muli %scan3A_48, %mul3A_122 : i32
        %add3A_124 = arith.constant 96 : i32
        %add3A_125 = arith.addi %mul3A_123, %add3A_124 : i32
        %swap3A_126 = arith.index_cast %add3A_125 : i32 to index
        %swap3A_127 = tpu.vector_load %arg9[%swap3A_126] {strides = array<i32>} : memref<8192xf32, #tpu.memory_space<vmem>>, vector<16xf32>,
        tpu.vector_store %arg9[%swap3A_126], %gather3A_121 {strides = array<i32>} : memref<8192xf32, #tpu.memory_space<vmem>>, vector<16xf32>,
        %add3A_128 = arith.constant 112 : i32
        %add3A_129 = arith.addi %add3A_53, %add3A_128 : i32
        %get3A_130 = arith.index_cast %add3A_129 : i32 to index
        %get3A_131 = tpu.vector_load %arg8[%get3A_130] {strides = array<i32>} : memref<16384xi32, #tpu.memory_space<vmem>>, vector<16xi32>,
        %gather3A_132 = tpu.vector_load_idx %arg7[%get3A_131] : memref<100000xf32, #tpu.memory_space<vmem>>[vector<16xi32>], vector<16xf32>,
        %mul3A_133 = arith.constant 256 : i32
        %mul3A_134 = arith.muli %scan3A_48, %mul3A_133 : i32
        %add3A_135 = arith.constant 112 : i32
        %add3A_136 = arith.addi %mul3A_134, %add3A_135 : i32
        %swap3A_137 = arith.index_cast %add3A_136 : i32 to index
        %swap3A_138 = tpu.vector_load %arg9[%swap3A_137] {strides = array<i32>} : memref<8192xf32, #tpu.memory_space<vmem>>, vector<16xf32>,
        tpu.vector_store %arg9[%swap3A_137], %gather3A_132 {strides = array<i32>} : memref<8192xf32, #tpu.memory_space<vmem>>, vector<16xf32>,
        %add3A_139 = arith.constant 128 : i32
        %add3A_140 = arith.addi %add3A_53, %add3A_139 : i32
        %get3A_141 = arith.index_cast %add3A_140 : i32 to index
        %get3A_142 = tpu.vector_load %arg8[%get3A_141] {strides = array<i32>} : memref<16384xi32, #tpu.memory_space<vmem>>, vector<16xi32>,
        %gather3A_143 = tpu.vector_load_idx %arg7[%get3A_142] : memref<100000xf32, #tpu.memory_space<vmem>>[vector<16xi32>], vector<16xf32>,
        %mul3A_144 = arith.constant 256 : i32
        %mul3A_145 = arith.muli %scan3A_48, %mul3A_144 : i32
        %add3A_146 = arith.constant 128 : i32
        %add3A_147 = arith.addi %mul3A_145, %add3A_146 : i32
        %swap3A_148 = arith.index_cast %add3A_147 : i32 to index
        %swap3A_149 = tpu.vector_load %arg9[%swap3A_148] {strides = array<i32>} : memref<8192xf32, #tpu.memory_space<vmem>>, vector<16xf32>,
        tpu.vector_store %arg9[%swap3A_148], %gather3A_143 {strides = array<i32>} : memref<8192xf32, #tpu.memory_space<vmem>>, vector<16xf32>,
        %add3A_150 = arith.constant 144 : i32
        %add3A_151 = arith.addi %add3A_53, %add3A_150 : i32
        %get3A_152 = arith.index_cast %add3A_151 : i32 to index
        %get3A_153 = tpu.vector_load %arg8[%get3A_152] {strides = array<i32>} : memref<16384xi32, #tpu.memory_space<vmem>>, vector<16xi32>,
        %gather3A_154 = tpu.vector_load_idx %arg7[%get3A_153] : memref<100000xf32, #tpu.memory_space<vmem>>[vector<16xi32>], vector<16xf32>,
        %mul3A_155 = arith.constant 256 : i32
        %mul3A_156 = arith.muli %scan3A_48, %mul3A_155 : i32
        %add3A_157 = arith.constant 144 : i32
        %add3A_158 = arith.addi %mul3A_156, %add3A_157 : i32
        %swap3A_159 = arith.index_cast %add3A_158 : i32 to index
        %swap3A_160 = tpu.vector_load %arg9[%swap3A_159] {strides = array<i32>} : memref<8192xf32, #tpu.memory_space<vmem>>, vector<16xf32>,
        tpu.vector_store %arg9[%swap3A_159], %gather3A_154 {strides = array<i32>} : memref<8192xf32, #tpu.memory_space<vmem>>, vector<16xf32>,
        %add3A_161 = arith.constant 160 : i32
        %add3A_162 = arith.addi %add3A_53, %add3A_161 : i32
        %get3A_163 = arith.index_cast %add3A_162 : i32 to index
        %get3A_164 = tpu.vector_load %arg8[%get3A_163] {strides = array<i32>} : memref<16384xi32, #tpu.memory_space<vmem>>, vector<16xi32>,
        %gather3A_165 = tpu.vector_load_idx %arg7[%get3A_164] : memref<100000xf32, #tpu.memory_space<vmem>>[vector<16xi32>], vector<16xf32>,
        %mul3A_166 = arith.constant 256 : i32
        %mul3A_167 = arith.muli %scan3A_48, %mul3A_166 : i32
        %add3A_168 = arith.constant 160 : i32
        %add3A_169 = arith.addi %mul3A_167, %add3A_168 : i32
        %swap3A_170 = arith.index_cast %add3A_169 : i32 to index
        %swap3A_171 = tpu.vector_load %arg9[%swap3A_170] {strides = array<i32>} : memref<8192xf32, #tpu.memory_space<vmem>>, vector<16xf32>,
        tpu.vector_store %arg9[%swap3A_170], %gather3A_165 {strides = array<i32>} : memref<8192xf32, #tpu.memory_space<vmem>>, vector<16xf32>,
        %add3A_172 = arith.constant 176 : i32
        %add3A_173 = arith.addi %add3A_53, %add3A_172 : i32
        %get3A_174 = arith.index_cast %add3A_173 : i32 to index
        %get3A_175 = tpu.vector_load %arg8[%get3A_174] {strides = array<i32>} : memref<16384xi32, #tpu.memory_space<vmem>>, vector<16xi32>,
        %gather3A_176 = tpu.vector_load_idx %arg7[%get3A_175] : memref<100000xf32, #tpu.memory_space<vmem>>[vector<16xi32>], vector<16xf32>,
        %mul3A_177 = arith.constant 256 : i32
        %mul3A_178 = arith.muli %scan3A_48, %mul3A_177 : i32
        %add3A_179 = arith.constant 176 : i32
        %add3A_180 = arith.addi %mul3A_178, %add3A_179 : i32
        %swap3A_181 = arith.index_cast %add3A_180 : i32 to index
        %swap3A_182 = tpu.vector_load %arg9[%swap3A_181] {strides = array<i32>} : memref<8192xf32, #tpu.memory_space<vmem>>, vector<16xf32>,
        tpu.vector_store %arg9[%swap3A_181], %gather3A_176 {strides = array<i32>} : memref<8192xf32, #tpu.memory_space<vmem>>, vector<16xf32>,
        %add3A_183 = arith.constant 192 : i32
        %add3A_184 = arith.addi %add3A_53, %add3A_183 : i32
        %get3A_185 = arith.index_cast %add3A_184 : i32 to index
        %get3A_186 = tpu.vector_load %arg8[%get3A_185] {strides = array<i32>} : memref<16384xi32, #tpu.memory_space<vmem>>, vector<16xi32>,
        %gather3A_187 = tpu.vector_load_idx %arg7[%get3A_186] : memref<100000xf32, #tpu.memory_space<vmem>>[vector<16xi32>], vector<16xf32>,
        %mul3A_188 = arith.constant 256 : i32
        %mul3A_189 = arith.muli %scan3A_48, %mul3A_188 : i32
        %add3A_190 = arith.constant 192 : i32
        %add3A_191 = arith.addi %mul3A_189, %add3A_190 : i32
        %swap3A_192 = arith.index_cast %add3A_191 : i32 to index
        %swap3A_193 = tpu.vector_load %arg9[%swap3A_192] {strides = array<i32>} : memref<8192xf32, #tpu.memory_space<vmem>>, vector<16xf32>,
        tpu.vector_store %arg9[%swap3A_192], %gather3A_187 {strides = array<i32>} : memref<8192xf32, #tpu.memory_space<vmem>>, vector<16xf32>,
        %add3A_194 = arith.constant 208 : i32
        %add3A_195 = arith.addi %add3A_53, %add3A_194 : i32
        %get3A_196 = arith.index_cast %add3A_195 : i32 to index
        %get3A_197 = tpu.vector_load %arg8[%get3A_196] {strides = array<i32>} : memref<16384xi32, #tpu.memory_space<vmem>>, vector<16xi32>,
        %gather3A_198 = tpu.vector_load_idx %arg7[%get3A_197] : memref<100000xf32, #tpu.memory_space<vmem>>[vector<16xi32>], vector<16xf32>,
        %mul3A_199 = arith.constant 256 : i32
        %mul3A_200 = arith.muli %scan3A_48, %mul3A_199 : i32
        %add3A_201 = arith.constant 208 : i32
        %add3A_202 = arith.addi %mul3A_200, %add3A_201 : i32
        %swap3A_203 = arith.index_cast %add3A_202 : i32 to index
        %swap3A_204 = tpu.vector_load %arg9[%swap3A_203] {strides = array<i32>} : memref<8192xf32, #tpu.memory_space<vmem>>, vector<16xf32>,
        tpu.vector_store %arg9[%swap3A_203], %gather3A_198 {strides = array<i32>} : memref<8192xf32, #tpu.memory_space<vmem>>, vector<16xf32>,
        %add3A_205 = arith.constant 224 : i32
        %add3A_206 = arith.addi %add3A_53, %add3A_205 : i32
        %get3A_207 = arith.index_cast %add3A_206 : i32 to index
        %get3A_208 = tpu.vector_load %arg8[%get3A_207] {strides = array<i32>} : memref<16384xi32, #tpu.memory_space<vmem>>, vector<16xi32>,
        %gather3A_209 = tpu.vector_load_idx %arg7[%get3A_208] : memref<100000xf32, #tpu.memory_space<vmem>>[vector<16xi32>], vector<16xf32>,
        %mul3A_210 = arith.constant 256 : i32
        %mul3A_211 = arith.muli %scan3A_48, %mul3A_210 : i32
        %add3A_212 = arith.constant 224 : i32
        %add3A_213 = arith.addi %mul3A_211, %add3A_212 : i32
        %swap3A_214 = arith.index_cast %add3A_213 : i32 to index
        %swap3A_215 = tpu.vector_load %arg9[%swap3A_214] {strides = array<i32>} : memref<8192xf32, #tpu.memory_space<vmem>>, vector<16xf32>,
        tpu.vector_store %arg9[%swap3A_214], %gather3A_209 {strides = array<i32>} : memref<8192xf32, #tpu.memory_space<vmem>>, vector<16xf32>,
        %add3A_216 = arith.constant 240 : i32
        %add3A_217 = arith.addi %add3A_53, %add3A_216 : i32
        %get3A_218 = arith.index_cast %add3A_217 : i32 to index
        %get3A_219 = tpu.vector_load %arg8[%get3A_218] {strides = array<i32>} : memref<16384xi32, #tpu.memory_space<vmem>>, vector<16xi32>,
        %gather3A_220 = tpu.vector_load_idx %arg7[%get3A_219] : memref<100000xf32, #tpu.memory_space<vmem>>[vector<16xi32>], vector<16xf32>,
        %mul3A_221 = arith.constant 256 : i32
        %mul3A_222 = arith.muli %scan3A_48, %mul3A_221 : i32
        %add3A_223 = arith.constant 240 : i32
        %add3A_224 = arith.addi %mul3A_222, %add3A_223 : i32
        %swap3A_225 = arith.index_cast %add3A_224 : i32 to index
        %swap3A_226 = tpu.vector_load %arg9[%swap3A_225] {strides = array<i32>} : memref<8192xf32, #tpu.memory_space<vmem>>, vector<16xf32>,
        tpu.vector_store %arg9[%swap3A_225], %gather3A_220 {strides = array<i32>} : memref<8192xf32, #tpu.memory_space<vmem>>, vector<16xf32>,
        %scan3A_227 = arith.constant 0 : i32
        scf.yield %scan3A_227 : i32
      }
      %scan3A_40 = arith.constant 32 : i32
      "tpu.region"() ({
        %run_scoped3A = tpu.sem_alloc : memref<!tpu.dma_semaphore, #tpu.memory_space<semaphore_mem>>
        %dma_start3A = arith.constant 0 : i32
        %dma_start3A_48 = tpu.memref_slice %arg5[%add3A_13, %dma_start3A] : memref<832x16384xf32, #tpu.memory_space<hbm>> -> memref<1x16384xf32, #tpu.memory_space<hbm>>
        %dma_start3A_49 = tpu.memref_squeeze %dma_start3A_48 : memref<1x16384xf32, #tpu.memory_space<hbm>> -> memref<16384xf32, #tpu.memory_space<hbm>>
        %dma_start3A_50 = arith.constant 0 : i32
        %dma_start3A_51 = tpu.memref_slice %dma_start3A_49[%dma_start3A_50] : memref<16384xf32, #tpu.memory_space<hbm>> -> memref<8192xf32, #tpu.memory_space<hbm>>
        %dma_start3A_52 = arith.constant 0 : i32
        %dma_start3A_53 = tpu.memref_slice %arg5[%add3A_13, %dma_start3A_52] : memref<832x16384xf32, #tpu.memory_space<hbm>> -> memref<1x16384xf32, #tpu.memory_space<hbm>>
        %dma_start3A_54 = tpu.memref_squeeze %dma_start3A_53 : memref<1x16384xf32, #tpu.memory_space<hbm>> -> memref<16384xf32, #tpu.memory_space<hbm>>
        %dma_start3A_55 = arith.constant 0 : i32
        %dma_start3A_56 = tpu.memref_slice %dma_start3A_54[%dma_start3A_55] : memref<16384xf32, #tpu.memory_space<hbm>> -> memref<8192xf32, #tpu.memory_space<hbm>>
        tpu.enqueue_dma source(%arg9 : memref<8192xf32, #tpu.memory_space<vmem>>) target(%dma_start3A_56 : memref<8192xf32, #tpu.memory_space<hbm>>) target_semaphore(%run_scoped3A : memref<!tpu.dma_semaphore, #tpu.memory_space<semaphore_mem>>)
        %dma_wait3A = arith.constant 0 : i32
        %dma_wait3A_57 = tpu.memref_slice %arg5[%add3A_13, %dma_wait3A] : memref<832x16384xf32, #tpu.memory_space<hbm>> -> memref<1x16384xf32, #tpu.memory_space<hbm>>
        %dma_wait3A_58 = tpu.memref_squeeze %dma_wait3A_57 : memref<1x16384xf32, #tpu.memory_space<hbm>> -> memref<16384xf32, #tpu.memory_space<hbm>>
        %dma_wait3A_59 = arith.constant 0 : i32
        %dma_wait3A_60 = tpu.memref_slice %dma_wait3A_58[%dma_wait3A_59] : memref<16384xf32, #tpu.memory_space<hbm>> -> memref<8192xf32, #tpu.memory_space<hbm>>
        %dma_wait3A_61 = arith.constant 0 : i32
        %dma_wait3A_62 = tpu.memref_slice %arg5[%add3A_13, %dma_wait3A_61] : memref<832x16384xf32, #tpu.memory_space<hbm>> -> memref<1x16384xf32, #tpu.memory_space<hbm>>
        %dma_wait3A_63 = tpu.memref_squeeze %dma_wait3A_62 : memref<1x16384xf32, #tpu.memory_space<hbm>> -> memref<16384xf32, #tpu.memory_space<hbm>>
        %dma_wait3A_64 = arith.constant 0 : i32
        %dma_wait3A_65 = tpu.memref_slice %dma_wait3A_63[%dma_wait3A_64] : memref<16384xf32, #tpu.memory_space<hbm>> -> memref<8192xf32, #tpu.memory_space<hbm>>
        tpu.wait_dma2 semaphore(%run_scoped3A : memref<!tpu.dma_semaphore, #tpu.memory_space<semaphore_mem>>) src(%arg9 : memref<8192xf32, #tpu.memory_space<vmem>>) dst(%dma_wait3A_65 : memref<8192xf32, #tpu.memory_space<hbm>>)
        tpu.yield
      }) : () -> ()
      %scan3A_41 = arith.constant 0 : i32
      %scan3A_42 = arith.constant 0 : i32
      %scan3A_43 = arith.constant 32 : i32
      %scan3A_44 = arith.addi %scan3A_42, %scan3A_43 : i32
      %scan3A_45 = arith.constant 1 : i32
      %scan3A_46 = scf.for %scan3A_48 = %scan3A_42 to %scan3A_44 step %scan3A_45 iter_args(%scan3A_49 = %scan3A_41) -> (i32)  : i32 {
        %mul3A_50 = arith.constant 256 : i32
        %mul3A_51 = arith.muli %scan3A_48, %mul3A_50 : i32
        %add3A_52 = arith.constant 8192 : i32
        %add3A_53 = arith.addi %add3A_52, %mul3A_51 : i32
        %add3A_54 = arith.constant 0 : i32
        %add3A_55 = arith.addi %add3A_53, %add3A_54 : i32
        %get3A = arith.index_cast %add3A_55 : i32 to index
        %get3A_56 = tpu.vector_load %arg8[%get3A] {strides = array<i32>} : memref<16384xi32, #tpu.memory_space<vmem>>, vector<16xi32>,
        %gather3A = tpu.vector_load_idx %arg7[%get3A_56] : memref<100000xf32, #tpu.memory_space<vmem>>[vector<16xi32>], vector<16xf32>,
        %mul3A_57 = arith.constant 256 : i32
        %mul3A_58 = arith.muli %scan3A_48, %mul3A_57 : i32
        %add3A_59 = arith.constant 0 : i32
        %add3A_60 = arith.addi %mul3A_58, %add3A_59 : i32
        %swap3A = arith.index_cast %add3A_60 : i32 to index
        %swap3A_61 = tpu.vector_load %arg9[%swap3A] {strides = array<i32>} : memref<8192xf32, #tpu.memory_space<vmem>>, vector<16xf32>,
        tpu.vector_store %arg9[%swap3A], %gather3A {strides = array<i32>} : memref<8192xf32, #tpu.memory_space<vmem>>, vector<16xf32>,
        %add3A_62 = arith.constant 16 : i32
        %add3A_63 = arith.addi %add3A_53, %add3A_62 : i32
        %get3A_64 = arith.index_cast %add3A_63 : i32 to index
        %get3A_65 = tpu.vector_load %arg8[%get3A_64] {strides = array<i32>} : memref<16384xi32, #tpu.memory_space<vmem>>, vector<16xi32>,
        %gather3A_66 = tpu.vector_load_idx %arg7[%get3A_65] : memref<100000xf32, #tpu.memory_space<vmem>>[vector<16xi32>], vector<16xf32>,
        %mul3A_67 = arith.constant 256 : i32
        %mul3A_68 = arith.muli %scan3A_48, %mul3A_67 : i32
        %add3A_69 = arith.constant 16 : i32
        %add3A_70 = arith.addi %mul3A_68, %add3A_69 : i32
        %swap3A_71 = arith.index_cast %add3A_70 : i32 to index
        %swap3A_72 = tpu.vector_load %arg9[%swap3A_71] {strides = array<i32>} : memref<8192xf32, #tpu.memory_space<vmem>>, vector<16xf32>,
        tpu.vector_store %arg9[%swap3A_71], %gather3A_66 {strides = array<i32>} : memref<8192xf32, #tpu.memory_space<vmem>>, vector<16xf32>,
        %add3A_73 = arith.constant 32 : i32
        %add3A_74 = arith.addi %add3A_53, %add3A_73 : i32
        %get3A_75 = arith.index_cast %add3A_74 : i32 to index
        %get3A_76 = tpu.vector_load %arg8[%get3A_75] {strides = array<i32>} : memref<16384xi32, #tpu.memory_space<vmem>>, vector<16xi32>,
        %gather3A_77 = tpu.vector_load_idx %arg7[%get3A_76] : memref<100000xf32, #tpu.memory_space<vmem>>[vector<16xi32>], vector<16xf32>,
        %mul3A_78 = arith.constant 256 : i32
        %mul3A_79 = arith.muli %scan3A_48, %mul3A_78 : i32
        %add3A_80 = arith.constant 32 : i32
        %add3A_81 = arith.addi %mul3A_79, %add3A_80 : i32
        %swap3A_82 = arith.index_cast %add3A_81 : i32 to index
        %swap3A_83 = tpu.vector_load %arg9[%swap3A_82] {strides = array<i32>} : memref<8192xf32, #tpu.memory_space<vmem>>, vector<16xf32>,
        tpu.vector_store %arg9[%swap3A_82], %gather3A_77 {strides = array<i32>} : memref<8192xf32, #tpu.memory_space<vmem>>, vector<16xf32>,
        %add3A_84 = arith.constant 48 : i32
        %add3A_85 = arith.addi %add3A_53, %add3A_84 : i32
        %get3A_86 = arith.index_cast %add3A_85 : i32 to index
        %get3A_87 = tpu.vector_load %arg8[%get3A_86] {strides = array<i32>} : memref<16384xi32, #tpu.memory_space<vmem>>, vector<16xi32>,
        %gather3A_88 = tpu.vector_load_idx %arg7[%get3A_87] : memref<100000xf32, #tpu.memory_space<vmem>>[vector<16xi32>], vector<16xf32>,
        %mul3A_89 = arith.constant 256 : i32
        %mul3A_90 = arith.muli %scan3A_48, %mul3A_89 : i32
        %add3A_91 = arith.constant 48 : i32
        %add3A_92 = arith.addi %mul3A_90, %add3A_91 : i32
        %swap3A_93 = arith.index_cast %add3A_92 : i32 to index
        %swap3A_94 = tpu.vector_load %arg9[%swap3A_93] {strides = array<i32>} : memref<8192xf32, #tpu.memory_space<vmem>>, vector<16xf32>,
        tpu.vector_store %arg9[%swap3A_93], %gather3A_88 {strides = array<i32>} : memref<8192xf32, #tpu.memory_space<vmem>>, vector<16xf32>,
        %add3A_95 = arith.constant 64 : i32
        %add3A_96 = arith.addi %add3A_53, %add3A_95 : i32
        %get3A_97 = arith.index_cast %add3A_96 : i32 to index
        %get3A_98 = tpu.vector_load %arg8[%get3A_97] {strides = array<i32>} : memref<16384xi32, #tpu.memory_space<vmem>>, vector<16xi32>,
        %gather3A_99 = tpu.vector_load_idx %arg7[%get3A_98] : memref<100000xf32, #tpu.memory_space<vmem>>[vector<16xi32>], vector<16xf32>,
        %mul3A_100 = arith.constant 256 : i32
        %mul3A_101 = arith.muli %scan3A_48, %mul3A_100 : i32
        %add3A_102 = arith.constant 64 : i32
        %add3A_103 = arith.addi %mul3A_101, %add3A_102 : i32
        %swap3A_104 = arith.index_cast %add3A_103 : i32 to index
        %swap3A_105 = tpu.vector_load %arg9[%swap3A_104] {strides = array<i32>} : memref<8192xf32, #tpu.memory_space<vmem>>, vector<16xf32>,
        tpu.vector_store %arg9[%swap3A_104], %gather3A_99 {strides = array<i32>} : memref<8192xf32, #tpu.memory_space<vmem>>, vector<16xf32>,
        %add3A_106 = arith.constant 80 : i32
        %add3A_107 = arith.addi %add3A_53, %add3A_106 : i32
        %get3A_108 = arith.index_cast %add3A_107 : i32 to index
        %get3A_109 = tpu.vector_load %arg8[%get3A_108] {strides = array<i32>} : memref<16384xi32, #tpu.memory_space<vmem>>, vector<16xi32>,
        %gather3A_110 = tpu.vector_load_idx %arg7[%get3A_109] : memref<100000xf32, #tpu.memory_space<vmem>>[vector<16xi32>], vector<16xf32>,
        %mul3A_111 = arith.constant 256 : i32
        %mul3A_112 = arith.muli %scan3A_48, %mul3A_111 : i32
        %add3A_113 = arith.constant 80 : i32
        %add3A_114 = arith.addi %mul3A_112, %add3A_113 : i32
        %swap3A_115 = arith.index_cast %add3A_114 : i32 to index
        %swap3A_116 = tpu.vector_load %arg9[%swap3A_115] {strides = array<i32>} : memref<8192xf32, #tpu.memory_space<vmem>>, vector<16xf32>,
        tpu.vector_store %arg9[%swap3A_115], %gather3A_110 {strides = array<i32>} : memref<8192xf32, #tpu.memory_space<vmem>>, vector<16xf32>,
        %add3A_117 = arith.constant 96 : i32
        %add3A_118 = arith.addi %add3A_53, %add3A_117 : i32
        %get3A_119 = arith.index_cast %add3A_118 : i32 to index
        %get3A_120 = tpu.vector_load %arg8[%get3A_119] {strides = array<i32>} : memref<16384xi32, #tpu.memory_space<vmem>>, vector<16xi32>,
        %gather3A_121 = tpu.vector_load_idx %arg7[%get3A_120] : memref<100000xf32, #tpu.memory_space<vmem>>[vector<16xi32>], vector<16xf32>,
        %mul3A_122 = arith.constant 256 : i32
        %mul3A_123 = arith.muli %scan3A_48, %mul3A_122 : i32
        %add3A_124 = arith.constant 96 : i32
        %add3A_125 = arith.addi %mul3A_123, %add3A_124 : i32
        %swap3A_126 = arith.index_cast %add3A_125 : i32 to index
        %swap3A_127 = tpu.vector_load %arg9[%swap3A_126] {strides = array<i32>} : memref<8192xf32, #tpu.memory_space<vmem>>, vector<16xf32>,
        tpu.vector_store %arg9[%swap3A_126], %gather3A_121 {strides = array<i32>} : memref<8192xf32, #tpu.memory_space<vmem>>, vector<16xf32>,
        %add3A_128 = arith.constant 112 : i32
        %add3A_129 = arith.addi %add3A_53, %add3A_128 : i32
        %get3A_130 = arith.index_cast %add3A_129 : i32 to index
        %get3A_131 = tpu.vector_load %arg8[%get3A_130] {strides = array<i32>} : memref<16384xi32, #tpu.memory_space<vmem>>, vector<16xi32>,
        %gather3A_132 = tpu.vector_load_idx %arg7[%get3A_131] : memref<100000xf32, #tpu.memory_space<vmem>>[vector<16xi32>], vector<16xf32>,
        %mul3A_133 = arith.constant 256 : i32
        %mul3A_134 = arith.muli %scan3A_48, %mul3A_133 : i32
        %add3A_135 = arith.constant 112 : i32
        %add3A_136 = arith.addi %mul3A_134, %add3A_135 : i32
        %swap3A_137 = arith.index_cast %add3A_136 : i32 to index
        %swap3A_138 = tpu.vector_load %arg9[%swap3A_137] {strides = array<i32>} : memref<8192xf32, #tpu.memory_space<vmem>>, vector<16xf32>,
        tpu.vector_store %arg9[%swap3A_137], %gather3A_132 {strides = array<i32>} : memref<8192xf32, #tpu.memory_space<vmem>>, vector<16xf32>,
        %add3A_139 = arith.constant 128 : i32
        %add3A_140 = arith.addi %add3A_53, %add3A_139 : i32
        %get3A_141 = arith.index_cast %add3A_140 : i32 to index
        %get3A_142 = tpu.vector_load %arg8[%get3A_141] {strides = array<i32>} : memref<16384xi32, #tpu.memory_space<vmem>>, vector<16xi32>,
        %gather3A_143 = tpu.vector_load_idx %arg7[%get3A_142] : memref<100000xf32, #tpu.memory_space<vmem>>[vector<16xi32>], vector<16xf32>,
        %mul3A_144 = arith.constant 256 : i32
        %mul3A_145 = arith.muli %scan3A_48, %mul3A_144 : i32
        %add3A_146 = arith.constant 128 : i32
        %add3A_147 = arith.addi %mul3A_145, %add3A_146 : i32
        %swap3A_148 = arith.index_cast %add3A_147 : i32 to index
        %swap3A_149 = tpu.vector_load %arg9[%swap3A_148] {strides = array<i32>} : memref<8192xf32, #tpu.memory_space<vmem>>, vector<16xf32>,
        tpu.vector_store %arg9[%swap3A_148], %gather3A_143 {strides = array<i32>} : memref<8192xf32, #tpu.memory_space<vmem>>, vector<16xf32>,
        %add3A_150 = arith.constant 144 : i32
        %add3A_151 = arith.addi %add3A_53, %add3A_150 : i32
        %get3A_152 = arith.index_cast %add3A_151 : i32 to index
        %get3A_153 = tpu.vector_load %arg8[%get3A_152] {strides = array<i32>} : memref<16384xi32, #tpu.memory_space<vmem>>, vector<16xi32>,
        %gather3A_154 = tpu.vector_load_idx %arg7[%get3A_153] : memref<100000xf32, #tpu.memory_space<vmem>>[vector<16xi32>], vector<16xf32>,
        %mul3A_155 = arith.constant 256 : i32
        %mul3A_156 = arith.muli %scan3A_48, %mul3A_155 : i32
        %add3A_157 = arith.constant 144 : i32
        %add3A_158 = arith.addi %mul3A_156, %add3A_157 : i32
        %swap3A_159 = arith.index_cast %add3A_158 : i32 to index
        %swap3A_160 = tpu.vector_load %arg9[%swap3A_159] {strides = array<i32>} : memref<8192xf32, #tpu.memory_space<vmem>>, vector<16xf32>,
        tpu.vector_store %arg9[%swap3A_159], %gather3A_154 {strides = array<i32>} : memref<8192xf32, #tpu.memory_space<vmem>>, vector<16xf32>,
        %add3A_161 = arith.constant 160 : i32
        %add3A_162 = arith.addi %add3A_53, %add3A_161 : i32
        %get3A_163 = arith.index_cast %add3A_162 : i32 to index
        %get3A_164 = tpu.vector_load %arg8[%get3A_163] {strides = array<i32>} : memref<16384xi32, #tpu.memory_space<vmem>>, vector<16xi32>,
        %gather3A_165 = tpu.vector_load_idx %arg7[%get3A_164] : memref<100000xf32, #tpu.memory_space<vmem>>[vector<16xi32>], vector<16xf32>,
        %mul3A_166 = arith.constant 256 : i32
        %mul3A_167 = arith.muli %scan3A_48, %mul3A_166 : i32
        %add3A_168 = arith.constant 160 : i32
        %add3A_169 = arith.addi %mul3A_167, %add3A_168 : i32
        %swap3A_170 = arith.index_cast %add3A_169 : i32 to index
        %swap3A_171 = tpu.vector_load %arg9[%swap3A_170] {strides = array<i32>} : memref<8192xf32, #tpu.memory_space<vmem>>, vector<16xf32>,
        tpu.vector_store %arg9[%swap3A_170], %gather3A_165 {strides = array<i32>} : memref<8192xf32, #tpu.memory_space<vmem>>, vector<16xf32>,
        %add3A_172 = arith.constant 176 : i32
        %add3A_173 = arith.addi %add3A_53, %add3A_172 : i32
        %get3A_174 = arith.index_cast %add3A_173 : i32 to index
        %get3A_175 = tpu.vector_load %arg8[%get3A_174] {strides = array<i32>} : memref<16384xi32, #tpu.memory_space<vmem>>, vector<16xi32>,
        %gather3A_176 = tpu.vector_load_idx %arg7[%get3A_175] : memref<100000xf32, #tpu.memory_space<vmem>>[vector<16xi32>], vector<16xf32>,
        %mul3A_177 = arith.constant 256 : i32
        %mul3A_178 = arith.muli %scan3A_48, %mul3A_177 : i32
        %add3A_179 = arith.constant 176 : i32
        %add3A_180 = arith.addi %mul3A_178, %add3A_179 : i32
        %swap3A_181 = arith.index_cast %add3A_180 : i32 to index
        %swap3A_182 = tpu.vector_load %arg9[%swap3A_181] {strides = array<i32>} : memref<8192xf32, #tpu.memory_space<vmem>>, vector<16xf32>,
        tpu.vector_store %arg9[%swap3A_181], %gather3A_176 {strides = array<i32>} : memref<8192xf32, #tpu.memory_space<vmem>>, vector<16xf32>,
        %add3A_183 = arith.constant 192 : i32
        %add3A_184 = arith.addi %add3A_53, %add3A_183 : i32
        %get3A_185 = arith.index_cast %add3A_184 : i32 to index
        %get3A_186 = tpu.vector_load %arg8[%get3A_185] {strides = array<i32>} : memref<16384xi32, #tpu.memory_space<vmem>>, vector<16xi32>,
        %gather3A_187 = tpu.vector_load_idx %arg7[%get3A_186] : memref<100000xf32, #tpu.memory_space<vmem>>[vector<16xi32>], vector<16xf32>,
        %mul3A_188 = arith.constant 256 : i32
        %mul3A_189 = arith.muli %scan3A_48, %mul3A_188 : i32
        %add3A_190 = arith.constant 192 : i32
        %add3A_191 = arith.addi %mul3A_189, %add3A_190 : i32
        %swap3A_192 = arith.index_cast %add3A_191 : i32 to index
        %swap3A_193 = tpu.vector_load %arg9[%swap3A_192] {strides = array<i32>} : memref<8192xf32, #tpu.memory_space<vmem>>, vector<16xf32>,
        tpu.vector_store %arg9[%swap3A_192], %gather3A_187 {strides = array<i32>} : memref<8192xf32, #tpu.memory_space<vmem>>, vector<16xf32>,
        %add3A_194 = arith.constant 208 : i32
        %add3A_195 = arith.addi %add3A_53, %add3A_194 : i32
        %get3A_196 = arith.index_cast %add3A_195 : i32 to index
        %get3A_197 = tpu.vector_load %arg8[%get3A_196] {strides = array<i32>} : memref<16384xi32, #tpu.memory_space<vmem>>, vector<16xi32>,
        %gather3A_198 = tpu.vector_load_idx %arg7[%get3A_197] : memref<100000xf32, #tpu.memory_space<vmem>>[vector<16xi32>], vector<16xf32>,
        %mul3A_199 = arith.constant 256 : i32
        %mul3A_200 = arith.muli %scan3A_48, %mul3A_199 : i32
        %add3A_201 = arith.constant 208 : i32
        %add3A_202 = arith.addi %mul3A_200, %add3A_201 : i32
        %swap3A_203 = arith.index_cast %add3A_202 : i32 to index
        %swap3A_204 = tpu.vector_load %arg9[%swap3A_203] {strides = array<i32>} : memref<8192xf32, #tpu.memory_space<vmem>>, vector<16xf32>,
        tpu.vector_store %arg9[%swap3A_203], %gather3A_198 {strides = array<i32>} : memref<8192xf32, #tpu.memory_space<vmem>>, vector<16xf32>,
        %add3A_205 = arith.constant 224 : i32
        %add3A_206 = arith.addi %add3A_53, %add3A_205 : i32
        %get3A_207 = arith.index_cast %add3A_206 : i32 to index
        %get3A_208 = tpu.vector_load %arg8[%get3A_207] {strides = array<i32>} : memref<16384xi32, #tpu.memory_space<vmem>>, vector<16xi32>,
        %gather3A_209 = tpu.vector_load_idx %arg7[%get3A_208] : memref<100000xf32, #tpu.memory_space<vmem>>[vector<16xi32>], vector<16xf32>,
        %mul3A_210 = arith.constant 256 : i32
        %mul3A_211 = arith.muli %scan3A_48, %mul3A_210 : i32
        %add3A_212 = arith.constant 224 : i32
        %add3A_213 = arith.addi %mul3A_211, %add3A_212 : i32
        %swap3A_214 = arith.index_cast %add3A_213 : i32 to index
        %swap3A_215 = tpu.vector_load %arg9[%swap3A_214] {strides = array<i32>} : memref<8192xf32, #tpu.memory_space<vmem>>, vector<16xf32>,
        tpu.vector_store %arg9[%swap3A_214], %gather3A_209 {strides = array<i32>} : memref<8192xf32, #tpu.memory_space<vmem>>, vector<16xf32>,
        %add3A_216 = arith.constant 240 : i32
        %add3A_217 = arith.addi %add3A_53, %add3A_216 : i32
        %get3A_218 = arith.index_cast %add3A_217 : i32 to index
        %get3A_219 = tpu.vector_load %arg8[%get3A_218] {strides = array<i32>} : memref<16384xi32, #tpu.memory_space<vmem>>, vector<16xi32>,
        %gather3A_220 = tpu.vector_load_idx %arg7[%get3A_219] : memref<100000xf32, #tpu.memory_space<vmem>>[vector<16xi32>], vector<16xf32>,
        %mul3A_221 = arith.constant 256 : i32
        %mul3A_222 = arith.muli %scan3A_48, %mul3A_221 : i32
        %add3A_223 = arith.constant 240 : i32
        %add3A_224 = arith.addi %mul3A_222, %add3A_223 : i32
        %swap3A_225 = arith.index_cast %add3A_224 : i32 to index
        %swap3A_226 = tpu.vector_load %arg9[%swap3A_225] {strides = array<i32>} : memref<8192xf32, #tpu.memory_space<vmem>>, vector<16xf32>,
        tpu.vector_store %arg9[%swap3A_225], %gather3A_220 {strides = array<i32>} : memref<8192xf32, #tpu.memory_space<vmem>>, vector<16xf32>,
        %scan3A_227 = arith.constant 0 : i32
        scf.yield %scan3A_227 : i32
      }
      %scan3A_47 = arith.constant 32 : i32
      "tpu.region"() ({
        %run_scoped3A = tpu.sem_alloc : memref<!tpu.dma_semaphore, #tpu.memory_space<semaphore_mem>>
        %dma_start3A = arith.constant 0 : i32
        %dma_start3A_48 = tpu.memref_slice %arg5[%add3A_13, %dma_start3A] : memref<832x16384xf32, #tpu.memory_space<hbm>> -> memref<1x16384xf32, #tpu.memory_space<hbm>>
        %dma_start3A_49 = tpu.memref_squeeze %dma_start3A_48 : memref<1x16384xf32, #tpu.memory_space<hbm>> -> memref<16384xf32, #tpu.memory_space<hbm>>
        %dma_start3A_50 = arith.constant 8192 : i32
        %dma_start3A_51 = tpu.memref_slice %dma_start3A_49[%dma_start3A_50] : memref<16384xf32, #tpu.memory_space<hbm>> -> memref<8192xf32, #tpu.memory_space<hbm>>
        %dma_start3A_52 = arith.constant 0 : i32
        %dma_start3A_53 = tpu.memref_slice %arg5[%add3A_13, %dma_start3A_52] : memref<832x16384xf32, #tpu.memory_space<hbm>> -> memref<1x16384xf32, #tpu.memory_space<hbm>>
        %dma_start3A_54 = tpu.memref_squeeze %dma_start3A_53 : memref<1x16384xf32, #tpu.memory_space<hbm>> -> memref<16384xf32, #tpu.memory_space<hbm>>
        %dma_start3A_55 = arith.constant 8192 : i32
        %dma_start3A_56 = tpu.memref_slice %dma_start3A_54[%dma_start3A_55] : memref<16384xf32, #tpu.memory_space<hbm>> -> memref<8192xf32, #tpu.memory_space<hbm>>
        tpu.enqueue_dma source(%arg9 : memref<8192xf32, #tpu.memory_space<vmem>>) target(%dma_start3A_56 : memref<8192xf32, #tpu.memory_space<hbm>>) target_semaphore(%run_scoped3A : memref<!tpu.dma_semaphore, #tpu.memory_space<semaphore_mem>>)
        %dma_wait3A = arith.constant 0 : i32
        %dma_wait3A_57 = tpu.memref_slice %arg5[%add3A_13, %dma_wait3A] : memref<832x16384xf32, #tpu.memory_space<hbm>> -> memref<1x16384xf32, #tpu.memory_space<hbm>>
        %dma_wait3A_58 = tpu.memref_squeeze %dma_wait3A_57 : memref<1x16384xf32, #tpu.memory_space<hbm>> -> memref<16384xf32, #tpu.memory_space<hbm>>
        %dma_wait3A_59 = arith.constant 8192 : i32
        %dma_wait3A_60 = tpu.memref_slice %dma_wait3A_58[%dma_wait3A_59] : memref<16384xf32, #tpu.memory_space<hbm>> -> memref<8192xf32, #tpu.memory_space<hbm>>
        %dma_wait3A_61 = arith.constant 0 : i32
        %dma_wait3A_62 = tpu.memref_slice %arg5[%add3A_13, %dma_wait3A_61] : memref<832x16384xf32, #tpu.memory_space<hbm>> -> memref<1x16384xf32, #tpu.memory_space<hbm>>
        %dma_wait3A_63 = tpu.memref_squeeze %dma_wait3A_62 : memref<1x16384xf32, #tpu.memory_space<hbm>> -> memref<16384xf32, #tpu.memory_space<hbm>>
        %dma_wait3A_64 = arith.constant 8192 : i32
        %dma_wait3A_65 = tpu.memref_slice %dma_wait3A_63[%dma_wait3A_64] : memref<16384xf32, #tpu.memory_space<hbm>> -> memref<8192xf32, #tpu.memory_space<hbm>>
        tpu.wait_dma2 semaphore(%run_scoped3A : memref<!tpu.dma_semaphore, #tpu.memory_space<semaphore_mem>>) src(%arg9 : memref<8192xf32, #tpu.memory_space<vmem>>) dst(%dma_wait3A_65 : memref<8192xf32, #tpu.memory_space<hbm>>)
        tpu.yield
      }) : () -> ()
      scf.yield %select_n3A : i32
    }
    %scan3A_6 = arith.constant 26 : i32
    %lt3A = arith.constant 26 : i32
    %lt3A_7 = arith.cmpi slt, %add3A, %lt3A : i32
    %convert_element_type3A = arith.extui %lt3A_7 : i1 to i32
    %cond3A = arith.constant 0 : i32
    %cond3A_8 = arith.cmpi ne, %convert_element_type3A, %cond3A : i32
    scf.if %cond3A_8 {
      "tpu.region"() ({
        %run_scoped3A = tpu.sem_alloc : memref<!tpu.dma_semaphore, #tpu.memory_space<semaphore_mem>>
        %dma_start3A = arith.constant 0 : i32
        %dma_start3A_23 = tpu.memref_slice %arg4[%add3A, %dma_start3A] : memref<26x16384xi32, #tpu.memory_space<hbm>> -> memref<1x16384xi32, #tpu.memory_space<hbm>>
        %dma_start3A_24 = tpu.memref_squeeze %dma_start3A_23 : memref<1x16384xi32, #tpu.memory_space<hbm>> -> memref<16384xi32, #tpu.memory_space<hbm>>
        %dma_start3A_25 = arith.constant 0 : i32
        %dma_start3A_26 = tpu.memref_slice %arg4[%add3A, %dma_start3A_25] : memref<26x16384xi32, #tpu.memory_space<hbm>> -> memref<1x16384xi32, #tpu.memory_space<hbm>>
        %dma_start3A_27 = tpu.memref_squeeze %dma_start3A_26 : memref<1x16384xi32, #tpu.memory_space<hbm>> -> memref<16384xi32, #tpu.memory_space<hbm>>
        tpu.enqueue_dma source(%dma_start3A_27 : memref<16384xi32, #tpu.memory_space<hbm>>) target(%arg8 : memref<16384xi32, #tpu.memory_space<vmem>>) target_semaphore(%run_scoped3A : memref<!tpu.dma_semaphore, #tpu.memory_space<semaphore_mem>>)
        %dma_wait3A = arith.constant 0 : i32
        %dma_wait3A_28 = tpu.memref_slice %arg4[%add3A, %dma_wait3A] : memref<26x16384xi32, #tpu.memory_space<hbm>> -> memref<1x16384xi32, #tpu.memory_space<hbm>>
        %dma_wait3A_29 = tpu.memref_squeeze %dma_wait3A_28 : memref<1x16384xi32, #tpu.memory_space<hbm>> -> memref<16384xi32, #tpu.memory_space<hbm>>
        %dma_wait3A_30 = arith.constant 0 : i32
        %dma_wait3A_31 = tpu.memref_slice %arg4[%add3A, %dma_wait3A_30] : memref<26x16384xi32, #tpu.memory_space<hbm>> -> memref<1x16384xi32, #tpu.memory_space<hbm>>
        %dma_wait3A_32 = tpu.memref_squeeze %dma_wait3A_31 : memref<1x16384xi32, #tpu.memory_space<hbm>> -> memref<16384xi32, #tpu.memory_space<hbm>>
        tpu.wait_dma2 semaphore(%run_scoped3A : memref<!tpu.dma_semaphore, #tpu.memory_space<semaphore_mem>>) src(%dma_wait3A_32 : memref<16384xi32, #tpu.memory_space<hbm>>) dst(%arg8 : memref<16384xi32, #tpu.memory_space<vmem>>)
        tpu.yield
      }) : () -> ()
      "tpu.region"() ({
        %run_scoped3A = tpu.sem_alloc : memref<!tpu.dma_semaphore, #tpu.memory_space<semaphore_mem>>
        %dma_start3A = arith.constant 0 : i32
        %dma_start3A_23 = tpu.memref_slice %arg3[%add3A, %dma_start3A] : memref<26x100000xf32, #tpu.memory_space<hbm>> -> memref<1x100000xf32, #tpu.memory_space<hbm>>
        %dma_start3A_24 = tpu.memref_squeeze %dma_start3A_23 : memref<1x100000xf32, #tpu.memory_space<hbm>> -> memref<100000xf32, #tpu.memory_space<hbm>>
        %dma_start3A_25 = arith.constant 0 : i32
        %dma_start3A_26 = tpu.memref_slice %arg3[%add3A, %dma_start3A_25] : memref<26x100000xf32, #tpu.memory_space<hbm>> -> memref<1x100000xf32, #tpu.memory_space<hbm>>
        %dma_start3A_27 = tpu.memref_squeeze %dma_start3A_26 : memref<1x100000xf32, #tpu.memory_space<hbm>> -> memref<100000xf32, #tpu.memory_space<hbm>>
        tpu.enqueue_dma source(%dma_start3A_27 : memref<100000xf32, #tpu.memory_space<hbm>>) target(%arg7 : memref<100000xf32, #tpu.memory_space<vmem>>) target_semaphore(%run_scoped3A : memref<!tpu.dma_semaphore, #tpu.memory_space<semaphore_mem>>)
        %dma_wait3A = arith.constant 0 : i32
        %dma_wait3A_28 = tpu.memref_slice %arg3[%add3A, %dma_wait3A] : memref<26x100000xf32, #tpu.memory_space<hbm>> -> memref<1x100000xf32, #tpu.memory_space<hbm>>
        %dma_wait3A_29 = tpu.memref_squeeze %dma_wait3A_28 : memref<1x100000xf32, #tpu.memory_space<hbm>> -> memref<100000xf32, #tpu.memory_space<hbm>>
        %dma_wait3A_30 = arith.constant 0 : i32
        %dma_wait3A_31 = tpu.memref_slice %arg3[%add3A, %dma_wait3A_30] : memref<26x100000xf32, #tpu.memory_space<hbm>> -> memref<1x100000xf32, #tpu.memory_space<hbm>>
        %dma_wait3A_32 = tpu.memref_squeeze %dma_wait3A_31 : memref<1x100000xf32, #tpu.memory_space<hbm>> -> memref<100000xf32, #tpu.memory_space<hbm>>
        tpu.wait_dma2 semaphore(%run_scoped3A : memref<!tpu.dma_semaphore, #tpu.memory_space<semaphore_mem>>) src(%dma_wait3A_32 : memref<100000xf32, #tpu.memory_space<hbm>>) dst(%arg7 : memref<100000xf32, #tpu.memory_space<vmem>>)
        tpu.yield
      }) : () -> ()
      %scan3A_9 = arith.constant 0 : i32
      %scan3A_10 = arith.constant 0 : i32
      %scan3A_11 = arith.constant 32 : i32
      %scan3A_12 = arith.addi %scan3A_10, %scan3A_11 : i32
      %scan3A_13 = arith.constant 1 : i32
      %scan3A_14 = scf.for %scan3A_23 = %scan3A_10 to %scan3A_12 step %scan3A_13 iter_args(%scan3A_24 = %scan3A_9) -> (i32)  : i32 {
        %mul3A_25 = arith.constant 256 : i32
        %mul3A_26 = arith.muli %scan3A_23, %mul3A_25 : i32
        %add3A_27 = arith.constant 0 : i32
        %add3A_28 = arith.addi %add3A_27, %mul3A_26 : i32
        %add3A_29 = arith.constant 0 : i32
        %add3A_30 = arith.addi %add3A_28, %add3A_29 : i32
        %get3A = arith.index_cast %add3A_30 : i32 to index
        %get3A_31 = tpu.vector_load %arg8[%get3A] {strides = array<i32>} : memref<16384xi32, #tpu.memory_space<vmem>>, vector<16xi32>,
        %gather3A = tpu.vector_load_idx %arg7[%get3A_31] : memref<100000xf32, #tpu.memory_space<vmem>>[vector<16xi32>], vector<16xf32>,
        %mul3A_32 = arith.constant 256 : i32
        %mul3A_33 = arith.muli %scan3A_23, %mul3A_32 : i32
        %add3A_34 = arith.constant 0 : i32
        %add3A_35 = arith.addi %mul3A_33, %add3A_34 : i32
        %swap3A = arith.index_cast %add3A_35 : i32 to index
        %swap3A_36 = tpu.vector_load %arg9[%swap3A] {strides = array<i32>} : memref<8192xf32, #tpu.memory_space<vmem>>, vector<16xf32>,
        tpu.vector_store %arg9[%swap3A], %gather3A {strides = array<i32>} : memref<8192xf32, #tpu.memory_space<vmem>>, vector<16xf32>,
        %add3A_37 = arith.constant 16 : i32
        %add3A_38 = arith.addi %add3A_28, %add3A_37 : i32
        %get3A_39 = arith.index_cast %add3A_38 : i32 to index
        %get3A_40 = tpu.vector_load %arg8[%get3A_39] {strides = array<i32>} : memref<16384xi32, #tpu.memory_space<vmem>>, vector<16xi32>,
        %gather3A_41 = tpu.vector_load_idx %arg7[%get3A_40] : memref<100000xf32, #tpu.memory_space<vmem>>[vector<16xi32>], vector<16xf32>,
        %mul3A_42 = arith.constant 256 : i32
        %mul3A_43 = arith.muli %scan3A_23, %mul3A_42 : i32
        %add3A_44 = arith.constant 16 : i32
        %add3A_45 = arith.addi %mul3A_43, %add3A_44 : i32
        %swap3A_46 = arith.index_cast %add3A_45 : i32 to index
        %swap3A_47 = tpu.vector_load %arg9[%swap3A_46] {strides = array<i32>} : memref<8192xf32, #tpu.memory_space<vmem>>, vector<16xf32>,
        tpu.vector_store %arg9[%swap3A_46], %gather3A_41 {strides = array<i32>} : memref<8192xf32, #tpu.memory_space<vmem>>, vector<16xf32>,
        %add3A_48 = arith.constant 32 : i32
        %add3A_49 = arith.addi %add3A_28, %add3A_48 : i32
        %get3A_50 = arith.index_cast %add3A_49 : i32 to index
        %get3A_51 = tpu.vector_load %arg8[%get3A_50] {strides = array<i32>} : memref<16384xi32, #tpu.memory_space<vmem>>, vector<16xi32>,
        %gather3A_52 = tpu.vector_load_idx %arg7[%get3A_51] : memref<100000xf32, #tpu.memory_space<vmem>>[vector<16xi32>], vector<16xf32>,
        %mul3A_53 = arith.constant 256 : i32
        %mul3A_54 = arith.muli %scan3A_23, %mul3A_53 : i32
        %add3A_55 = arith.constant 32 : i32
        %add3A_56 = arith.addi %mul3A_54, %add3A_55 : i32
        %swap3A_57 = arith.index_cast %add3A_56 : i32 to index
        %swap3A_58 = tpu.vector_load %arg9[%swap3A_57] {strides = array<i32>} : memref<8192xf32, #tpu.memory_space<vmem>>, vector<16xf32>,
        tpu.vector_store %arg9[%swap3A_57], %gather3A_52 {strides = array<i32>} : memref<8192xf32, #tpu.memory_space<vmem>>, vector<16xf32>,
        %add3A_59 = arith.constant 48 : i32
        %add3A_60 = arith.addi %add3A_28, %add3A_59 : i32
        %get3A_61 = arith.index_cast %add3A_60 : i32 to index
        %get3A_62 = tpu.vector_load %arg8[%get3A_61] {strides = array<i32>} : memref<16384xi32, #tpu.memory_space<vmem>>, vector<16xi32>,
        %gather3A_63 = tpu.vector_load_idx %arg7[%get3A_62] : memref<100000xf32, #tpu.memory_space<vmem>>[vector<16xi32>], vector<16xf32>,
        %mul3A_64 = arith.constant 256 : i32
        %mul3A_65 = arith.muli %scan3A_23, %mul3A_64 : i32
        %add3A_66 = arith.constant 48 : i32
        %add3A_67 = arith.addi %mul3A_65, %add3A_66 : i32
        %swap3A_68 = arith.index_cast %add3A_67 : i32 to index
        %swap3A_69 = tpu.vector_load %arg9[%swap3A_68] {strides = array<i32>} : memref<8192xf32, #tpu.memory_space<vmem>>, vector<16xf32>,
        tpu.vector_store %arg9[%swap3A_68], %gather3A_63 {strides = array<i32>} : memref<8192xf32, #tpu.memory_space<vmem>>, vector<16xf32>,
        %add3A_70 = arith.constant 64 : i32
        %add3A_71 = arith.addi %add3A_28, %add3A_70 : i32
        %get3A_72 = arith.index_cast %add3A_71 : i32 to index
        %get3A_73 = tpu.vector_load %arg8[%get3A_72] {strides = array<i32>} : memref<16384xi32, #tpu.memory_space<vmem>>, vector<16xi32>,
        %gather3A_74 = tpu.vector_load_idx %arg7[%get3A_73] : memref<100000xf32, #tpu.memory_space<vmem>>[vector<16xi32>], vector<16xf32>,
        %mul3A_75 = arith.constant 256 : i32
        %mul3A_76 = arith.muli %scan3A_23, %mul3A_75 : i32
        %add3A_77 = arith.constant 64 : i32
        %add3A_78 = arith.addi %mul3A_76, %add3A_77 : i32
        %swap3A_79 = arith.index_cast %add3A_78 : i32 to index
        %swap3A_80 = tpu.vector_load %arg9[%swap3A_79] {strides = array<i32>} : memref<8192xf32, #tpu.memory_space<vmem>>, vector<16xf32>,
        tpu.vector_store %arg9[%swap3A_79], %gather3A_74 {strides = array<i32>} : memref<8192xf32, #tpu.memory_space<vmem>>, vector<16xf32>,
        %add3A_81 = arith.constant 80 : i32
        %add3A_82 = arith.addi %add3A_28, %add3A_81 : i32
        %get3A_83 = arith.index_cast %add3A_82 : i32 to index
        %get3A_84 = tpu.vector_load %arg8[%get3A_83] {strides = array<i32>} : memref<16384xi32, #tpu.memory_space<vmem>>, vector<16xi32>,
        %gather3A_85 = tpu.vector_load_idx %arg7[%get3A_84] : memref<100000xf32, #tpu.memory_space<vmem>>[vector<16xi32>], vector<16xf32>,
        %mul3A_86 = arith.constant 256 : i32
        %mul3A_87 = arith.muli %scan3A_23, %mul3A_86 : i32
        %add3A_88 = arith.constant 80 : i32
        %add3A_89 = arith.addi %mul3A_87, %add3A_88 : i32
        %swap3A_90 = arith.index_cast %add3A_89 : i32 to index
        %swap3A_91 = tpu.vector_load %arg9[%swap3A_90] {strides = array<i32>} : memref<8192xf32, #tpu.memory_space<vmem>>, vector<16xf32>,
        tpu.vector_store %arg9[%swap3A_90], %gather3A_85 {strides = array<i32>} : memref<8192xf32, #tpu.memory_space<vmem>>, vector<16xf32>,
        %add3A_92 = arith.constant 96 : i32
        %add3A_93 = arith.addi %add3A_28, %add3A_92 : i32
        %get3A_94 = arith.index_cast %add3A_93 : i32 to index
        %get3A_95 = tpu.vector_load %arg8[%get3A_94] {strides = array<i32>} : memref<16384xi32, #tpu.memory_space<vmem>>, vector<16xi32>,
        %gather3A_96 = tpu.vector_load_idx %arg7[%get3A_95] : memref<100000xf32, #tpu.memory_space<vmem>>[vector<16xi32>], vector<16xf32>,
        %mul3A_97 = arith.constant 256 : i32
        %mul3A_98 = arith.muli %scan3A_23, %mul3A_97 : i32
        %add3A_99 = arith.constant 96 : i32
        %add3A_100 = arith.addi %mul3A_98, %add3A_99 : i32
        %swap3A_101 = arith.index_cast %add3A_100 : i32 to index
        %swap3A_102 = tpu.vector_load %arg9[%swap3A_101] {strides = array<i32>} : memref<8192xf32, #tpu.memory_space<vmem>>, vector<16xf32>,
        tpu.vector_store %arg9[%swap3A_101], %gather3A_96 {strides = array<i32>} : memref<8192xf32, #tpu.memory_space<vmem>>, vector<16xf32>,
        %add3A_103 = arith.constant 112 : i32
        %add3A_104 = arith.addi %add3A_28, %add3A_103 : i32
        %get3A_105 = arith.index_cast %add3A_104 : i32 to index
        %get3A_106 = tpu.vector_load %arg8[%get3A_105] {strides = array<i32>} : memref<16384xi32, #tpu.memory_space<vmem>>, vector<16xi32>,
        %gather3A_107 = tpu.vector_load_idx %arg7[%get3A_106] : memref<100000xf32, #tpu.memory_space<vmem>>[vector<16xi32>], vector<16xf32>,
        %mul3A_108 = arith.constant 256 : i32
        %mul3A_109 = arith.muli %scan3A_23, %mul3A_108 : i32
        %add3A_110 = arith.constant 112 : i32
        %add3A_111 = arith.addi %mul3A_109, %add3A_110 : i32
        %swap3A_112 = arith.index_cast %add3A_111 : i32 to index
        %swap3A_113 = tpu.vector_load %arg9[%swap3A_112] {strides = array<i32>} : memref<8192xf32, #tpu.memory_space<vmem>>, vector<16xf32>,
        tpu.vector_store %arg9[%swap3A_112], %gather3A_107 {strides = array<i32>} : memref<8192xf32, #tpu.memory_space<vmem>>, vector<16xf32>,
        %add3A_114 = arith.constant 128 : i32
        %add3A_115 = arith.addi %add3A_28, %add3A_114 : i32
        %get3A_116 = arith.index_cast %add3A_115 : i32 to index
        %get3A_117 = tpu.vector_load %arg8[%get3A_116] {strides = array<i32>} : memref<16384xi32, #tpu.memory_space<vmem>>, vector<16xi32>,
        %gather3A_118 = tpu.vector_load_idx %arg7[%get3A_117] : memref<100000xf32, #tpu.memory_space<vmem>>[vector<16xi32>], vector<16xf32>,
        %mul3A_119 = arith.constant 256 : i32
        %mul3A_120 = arith.muli %scan3A_23, %mul3A_119 : i32
        %add3A_121 = arith.constant 128 : i32
        %add3A_122 = arith.addi %mul3A_120, %add3A_121 : i32
        %swap3A_123 = arith.index_cast %add3A_122 : i32 to index
        %swap3A_124 = tpu.vector_load %arg9[%swap3A_123] {strides = array<i32>} : memref<8192xf32, #tpu.memory_space<vmem>>, vector<16xf32>,
        tpu.vector_store %arg9[%swap3A_123], %gather3A_118 {strides = array<i32>} : memref<8192xf32, #tpu.memory_space<vmem>>, vector<16xf32>,
        %add3A_125 = arith.constant 144 : i32
        %add3A_126 = arith.addi %add3A_28, %add3A_125 : i32
        %get3A_127 = arith.index_cast %add3A_126 : i32 to index
        %get3A_128 = tpu.vector_load %arg8[%get3A_127] {strides = array<i32>} : memref<16384xi32, #tpu.memory_space<vmem>>, vector<16xi32>,
        %gather3A_129 = tpu.vector_load_idx %arg7[%get3A_128] : memref<100000xf32, #tpu.memory_space<vmem>>[vector<16xi32>], vector<16xf32>,
        %mul3A_130 = arith.constant 256 : i32
        %mul3A_131 = arith.muli %scan3A_23, %mul3A_130 : i32
        %add3A_132 = arith.constant 144 : i32
        %add3A_133 = arith.addi %mul3A_131, %add3A_132 : i32
        %swap3A_134 = arith.index_cast %add3A_133 : i32 to index
        %swap3A_135 = tpu.vector_load %arg9[%swap3A_134] {strides = array<i32>} : memref<8192xf32, #tpu.memory_space<vmem>>, vector<16xf32>,
        tpu.vector_store %arg9[%swap3A_134], %gather3A_129 {strides = array<i32>} : memref<8192xf32, #tpu.memory_space<vmem>>, vector<16xf32>,
        %add3A_136 = arith.constant 160 : i32
        %add3A_137 = arith.addi %add3A_28, %add3A_136 : i32
        %get3A_138 = arith.index_cast %add3A_137 : i32 to index
        %get3A_139 = tpu.vector_load %arg8[%get3A_138] {strides = array<i32>} : memref<16384xi32, #tpu.memory_space<vmem>>, vector<16xi32>,
        %gather3A_140 = tpu.vector_load_idx %arg7[%get3A_139] : memref<100000xf32, #tpu.memory_space<vmem>>[vector<16xi32>], vector<16xf32>,
        %mul3A_141 = arith.constant 256 : i32
        %mul3A_142 = arith.muli %scan3A_23, %mul3A_141 : i32
        %add3A_143 = arith.constant 160 : i32
        %add3A_144 = arith.addi %mul3A_142, %add3A_143 : i32
        %swap3A_145 = arith.index_cast %add3A_144 : i32 to index
        %swap3A_146 = tpu.vector_load %arg9[%swap3A_145] {strides = array<i32>} : memref<8192xf32, #tpu.memory_space<vmem>>, vector<16xf32>,
        tpu.vector_store %arg9[%swap3A_145], %gather3A_140 {strides = array<i32>} : memref<8192xf32, #tpu.memory_space<vmem>>, vector<16xf32>,
        %add3A_147 = arith.constant 176 : i32
        %add3A_148 = arith.addi %add3A_28, %add3A_147 : i32
        %get3A_149 = arith.index_cast %add3A_148 : i32 to index
        %get3A_150 = tpu.vector_load %arg8[%get3A_149] {strides = array<i32>} : memref<16384xi32, #tpu.memory_space<vmem>>, vector<16xi32>,
        %gather3A_151 = tpu.vector_load_idx %arg7[%get3A_150] : memref<100000xf32, #tpu.memory_space<vmem>>[vector<16xi32>], vector<16xf32>,
        %mul3A_152 = arith.constant 256 : i32
        %mul3A_153 = arith.muli %scan3A_23, %mul3A_152 : i32
        %add3A_154 = arith.constant 176 : i32
        %add3A_155 = arith.addi %mul3A_153, %add3A_154 : i32
        %swap3A_156 = arith.index_cast %add3A_155 : i32 to index
        %swap3A_157 = tpu.vector_load %arg9[%swap3A_156] {strides = array<i32>} : memref<8192xf32, #tpu.memory_space<vmem>>, vector<16xf32>,
        tpu.vector_store %arg9[%swap3A_156], %gather3A_151 {strides = array<i32>} : memref<8192xf32, #tpu.memory_space<vmem>>, vector<16xf32>,
        %add3A_158 = arith.constant 192 : i32
        %add3A_159 = arith.addi %add3A_28, %add3A_158 : i32
        %get3A_160 = arith.index_cast %add3A_159 : i32 to index
        %get3A_161 = tpu.vector_load %arg8[%get3A_160] {strides = array<i32>} : memref<16384xi32, #tpu.memory_space<vmem>>, vector<16xi32>,
        %gather3A_162 = tpu.vector_load_idx %arg7[%get3A_161] : memref<100000xf32, #tpu.memory_space<vmem>>[vector<16xi32>], vector<16xf32>,
        %mul3A_163 = arith.constant 256 : i32
        %mul3A_164 = arith.muli %scan3A_23, %mul3A_163 : i32
        %add3A_165 = arith.constant 192 : i32
        %add3A_166 = arith.addi %mul3A_164, %add3A_165 : i32
        %swap3A_167 = arith.index_cast %add3A_166 : i32 to index
        %swap3A_168 = tpu.vector_load %arg9[%swap3A_167] {strides = array<i32>} : memref<8192xf32, #tpu.memory_space<vmem>>, vector<16xf32>,
        tpu.vector_store %arg9[%swap3A_167], %gather3A_162 {strides = array<i32>} : memref<8192xf32, #tpu.memory_space<vmem>>, vector<16xf32>,
        %add3A_169 = arith.constant 208 : i32
        %add3A_170 = arith.addi %add3A_28, %add3A_169 : i32
        %get3A_171 = arith.index_cast %add3A_170 : i32 to index
        %get3A_172 = tpu.vector_load %arg8[%get3A_171] {strides = array<i32>} : memref<16384xi32, #tpu.memory_space<vmem>>, vector<16xi32>,
        %gather3A_173 = tpu.vector_load_idx %arg7[%get3A_172] : memref<100000xf32, #tpu.memory_space<vmem>>[vector<16xi32>], vector<16xf32>,
        %mul3A_174 = arith.constant 256 : i32
        %mul3A_175 = arith.muli %scan3A_23, %mul3A_174 : i32
        %add3A_176 = arith.constant 208 : i32
        %add3A_177 = arith.addi %mul3A_175, %add3A_176 : i32
        %swap3A_178 = arith.index_cast %add3A_177 : i32 to index
        %swap3A_179 = tpu.vector_load %arg9[%swap3A_178] {strides = array<i32>} : memref<8192xf32, #tpu.memory_space<vmem>>, vector<16xf32>,
        tpu.vector_store %arg9[%swap3A_178], %gather3A_173 {strides = array<i32>} : memref<8192xf32, #tpu.memory_space<vmem>>, vector<16xf32>,
        %add3A_180 = arith.constant 224 : i32
        %add3A_181 = arith.addi %add3A_28, %add3A_180 : i32
        %get3A_182 = arith.index_cast %add3A_181 : i32 to index
        %get3A_183 = tpu.vector_load %arg8[%get3A_182] {strides = array<i32>} : memref<16384xi32, #tpu.memory_space<vmem>>, vector<16xi32>,
        %gather3A_184 = tpu.vector_load_idx %arg7[%get3A_183] : memref<100000xf32, #tpu.memory_space<vmem>>[vector<16xi32>], vector<16xf32>,
        %mul3A_185 = arith.constant 256 : i32
        %mul3A_186 = arith.muli %scan3A_23, %mul3A_185 : i32
        %add3A_187 = arith.constant 224 : i32
        %add3A_188 = arith.addi %mul3A_186, %add3A_187 : i32
        %swap3A_189 = arith.index_cast %add3A_188 : i32 to index
        %swap3A_190 = tpu.vector_load %arg9[%swap3A_189] {strides = array<i32>} : memref<8192xf32, #tpu.memory_space<vmem>>, vector<16xf32>,
        tpu.vector_store %arg9[%swap3A_189], %gather3A_184 {strides = array<i32>} : memref<8192xf32, #tpu.memory_space<vmem>>, vector<16xf32>,
        %add3A_191 = arith.constant 240 : i32
        %add3A_192 = arith.addi %add3A_28, %add3A_191 : i32
        %get3A_193 = arith.index_cast %add3A_192 : i32 to index
        %get3A_194 = tpu.vector_load %arg8[%get3A_193] {strides = array<i32>} : memref<16384xi32, #tpu.memory_space<vmem>>, vector<16xi32>,
        %gather3A_195 = tpu.vector_load_idx %arg7[%get3A_194] : memref<100000xf32, #tpu.memory_space<vmem>>[vector<16xi32>], vector<16xf32>,
        %mul3A_196 = arith.constant 256 : i32
        %mul3A_197 = arith.muli %scan3A_23, %mul3A_196 : i32
        %add3A_198 = arith.constant 240 : i32
        %add3A_199 = arith.addi %mul3A_197, %add3A_198 : i32
        %swap3A_200 = arith.index_cast %add3A_199 : i32 to index
        %swap3A_201 = tpu.vector_load %arg9[%swap3A_200] {strides = array<i32>} : memref<8192xf32, #tpu.memory_space<vmem>>, vector<16xf32>,
        tpu.vector_store %arg9[%swap3A_200], %gather3A_195 {strides = array<i32>} : memref<8192xf32, #tpu.memory_space<vmem>>, vector<16xf32>,
        %scan3A_202 = arith.constant 0 : i32
        scf.yield %scan3A_202 : i32
      }
      %scan3A_15 = arith.constant 32 : i32
      "tpu.region"() ({
        %run_scoped3A = tpu.sem_alloc : memref<!tpu.dma_semaphore, #tpu.memory_space<semaphore_mem>>
        %dma_start3A = arith.constant 0 : i32
        %dma_start3A_23 = tpu.memref_slice %arg6[%add3A, %dma_start3A] : memref<26x16384xf32, #tpu.memory_space<hbm>> -> memref<1x16384xf32, #tpu.memory_space<hbm>>
        %dma_start3A_24 = tpu.memref_squeeze %dma_start3A_23 : memref<1x16384xf32, #tpu.memory_space<hbm>> -> memref<16384xf32, #tpu.memory_space<hbm>>
        %dma_start3A_25 = arith.constant 0 : i32
        %dma_start3A_26 = tpu.memref_slice %dma_start3A_24[%dma_start3A_25] : memref<16384xf32, #tpu.memory_space<hbm>> -> memref<8192xf32, #tpu.memory_space<hbm>>
        %dma_start3A_27 = arith.constant 0 : i32
        %dma_start3A_28 = tpu.memref_slice %arg6[%add3A, %dma_start3A_27] : memref<26x16384xf32, #tpu.memory_space<hbm>> -> memref<1x16384xf32, #tpu.memory_space<hbm>>
        %dma_start3A_29 = tpu.memref_squeeze %dma_start3A_28 : memref<1x16384xf32, #tpu.memory_space<hbm>> -> memref<16384xf32, #tpu.memory_space<hbm>>
        %dma_start3A_30 = arith.constant 0 : i32
        %dma_start3A_31 = tpu.memref_slice %dma_start3A_29[%dma_start3A_30] : memref<16384xf32, #tpu.memory_space<hbm>> -> memref<8192xf32, #tpu.memory_space<hbm>>
        tpu.enqueue_dma source(%arg9 : memref<8192xf32, #tpu.memory_space<vmem>>) target(%dma_start3A_31 : memref<8192xf32, #tpu.memory_space<hbm>>) target_semaphore(%run_scoped3A : memref<!tpu.dma_semaphore, #tpu.memory_space<semaphore_mem>>)
        %dma_wait3A = arith.constant 0 : i32
        %dma_wait3A_32 = tpu.memref_slice %arg6[%add3A, %dma_wait3A] : memref<26x16384xf32, #tpu.memory_space<hbm>> -> memref<1x16384xf32, #tpu.memory_space<hbm>>
        %dma_wait3A_33 = tpu.memref_squeeze %dma_wait3A_32 : memref<1x16384xf32, #tpu.memory_space<hbm>> -> memref<16384xf32, #tpu.memory_space<hbm>>
        %dma_wait3A_34 = arith.constant 0 : i32
        %dma_wait3A_35 = tpu.memref_slice %dma_wait3A_33[%dma_wait3A_34] : memref<16384xf32, #tpu.memory_space<hbm>> -> memref<8192xf32, #tpu.memory_space<hbm>>
        %dma_wait3A_36 = arith.constant 0 : i32
        %dma_wait3A_37 = tpu.memref_slice %arg6[%add3A, %dma_wait3A_36] : memref<26x16384xf32, #tpu.memory_space<hbm>> -> memref<1x16384xf32, #tpu.memory_space<hbm>>
        %dma_wait3A_38 = tpu.memref_squeeze %dma_wait3A_37 : memref<1x16384xf32, #tpu.memory_space<hbm>> -> memref<16384xf32, #tpu.memory_space<hbm>>
        %dma_wait3A_39 = arith.constant 0 : i32
        %dma_wait3A_40 = tpu.memref_slice %dma_wait3A_38[%dma_wait3A_39] : memref<16384xf32, #tpu.memory_space<hbm>> -> memref<8192xf32, #tpu.memory_space<hbm>>
        tpu.wait_dma2 semaphore(%run_scoped3A : memref<!tpu.dma_semaphore, #tpu.memory_space<semaphore_mem>>) src(%arg9 : memref<8192xf32, #tpu.memory_space<vmem>>) dst(%dma_wait3A_40 : memref<8192xf32, #tpu.memory_space<hbm>>)
        tpu.yield
      }) : () -> ()
      %scan3A_16 = arith.constant 0 : i32
      %scan3A_17 = arith.constant 0 : i32
      %scan3A_18 = arith.constant 32 : i32
      %scan3A_19 = arith.addi %scan3A_17, %scan3A_18 : i32
      %scan3A_20 = arith.constant 1 : i32
      %scan3A_21 = scf.for %scan3A_23 = %scan3A_17 to %scan3A_19 step %scan3A_20 iter_args(%scan3A_24 = %scan3A_16) -> (i32)  : i32 {
        %mul3A_25 = arith.constant 256 : i32
        %mul3A_26 = arith.muli %scan3A_23, %mul3A_25 : i32
        %add3A_27 = arith.constant 8192 : i32
        %add3A_28 = arith.addi %add3A_27, %mul3A_26 : i32
        %add3A_29 = arith.constant 0 : i32
        %add3A_30 = arith.addi %add3A_28, %add3A_29 : i32
        %get3A = arith.index_cast %add3A_30 : i32 to index
        %get3A_31 = tpu.vector_load %arg8[%get3A] {strides = array<i32>} : memref<16384xi32, #tpu.memory_space<vmem>>, vector<16xi32>,
        %gather3A = tpu.vector_load_idx %arg7[%get3A_31] : memref<100000xf32, #tpu.memory_space<vmem>>[vector<16xi32>], vector<16xf32>,
        %mul3A_32 = arith.constant 256 : i32
        %mul3A_33 = arith.muli %scan3A_23, %mul3A_32 : i32
        %add3A_34 = arith.constant 0 : i32
        %add3A_35 = arith.addi %mul3A_33, %add3A_34 : i32
        %swap3A = arith.index_cast %add3A_35 : i32 to index
        %swap3A_36 = tpu.vector_load %arg9[%swap3A] {strides = array<i32>} : memref<8192xf32, #tpu.memory_space<vmem>>, vector<16xf32>,
        tpu.vector_store %arg9[%swap3A], %gather3A {strides = array<i32>} : memref<8192xf32, #tpu.memory_space<vmem>>, vector<16xf32>,
        %add3A_37 = arith.constant 16 : i32
        %add3A_38 = arith.addi %add3A_28, %add3A_37 : i32
        %get3A_39 = arith.index_cast %add3A_38 : i32 to index
        %get3A_40 = tpu.vector_load %arg8[%get3A_39] {strides = array<i32>} : memref<16384xi32, #tpu.memory_space<vmem>>, vector<16xi32>,
        %gather3A_41 = tpu.vector_load_idx %arg7[%get3A_40] : memref<100000xf32, #tpu.memory_space<vmem>>[vector<16xi32>], vector<16xf32>,
        %mul3A_42 = arith.constant 256 : i32
        %mul3A_43 = arith.muli %scan3A_23, %mul3A_42 : i32
        %add3A_44 = arith.constant 16 : i32
        %add3A_45 = arith.addi %mul3A_43, %add3A_44 : i32
        %swap3A_46 = arith.index_cast %add3A_45 : i32 to index
        %swap3A_47 = tpu.vector_load %arg9[%swap3A_46] {strides = array<i32>} : memref<8192xf32, #tpu.memory_space<vmem>>, vector<16xf32>,
        tpu.vector_store %arg9[%swap3A_46], %gather3A_41 {strides = array<i32>} : memref<8192xf32, #tpu.memory_space<vmem>>, vector<16xf32>,
        %add3A_48 = arith.constant 32 : i32
        %add3A_49 = arith.addi %add3A_28, %add3A_48 : i32
        %get3A_50 = arith.index_cast %add3A_49 : i32 to index
        %get3A_51 = tpu.vector_load %arg8[%get3A_50] {strides = array<i32>} : memref<16384xi32, #tpu.memory_space<vmem>>, vector<16xi32>,
        %gather3A_52 = tpu.vector_load_idx %arg7[%get3A_51] : memref<100000xf32, #tpu.memory_space<vmem>>[vector<16xi32>], vector<16xf32>,
        %mul3A_53 = arith.constant 256 : i32
        %mul3A_54 = arith.muli %scan3A_23, %mul3A_53 : i32
        %add3A_55 = arith.constant 32 : i32
        %add3A_56 = arith.addi %mul3A_54, %add3A_55 : i32
        %swap3A_57 = arith.index_cast %add3A_56 : i32 to index
        %swap3A_58 = tpu.vector_load %arg9[%swap3A_57] {strides = array<i32>} : memref<8192xf32, #tpu.memory_space<vmem>>, vector<16xf32>,
        tpu.vector_store %arg9[%swap3A_57], %gather3A_52 {strides = array<i32>} : memref<8192xf32, #tpu.memory_space<vmem>>, vector<16xf32>,
        %add3A_59 = arith.constant 48 : i32
        %add3A_60 = arith.addi %add3A_28, %add3A_59 : i32
        %get3A_61 = arith.index_cast %add3A_60 : i32 to index
        %get3A_62 = tpu.vector_load %arg8[%get3A_61] {strides = array<i32>} : memref<16384xi32, #tpu.memory_space<vmem>>, vector<16xi32>,
        %gather3A_63 = tpu.vector_load_idx %arg7[%get3A_62] : memref<100000xf32, #tpu.memory_space<vmem>>[vector<16xi32>], vector<16xf32>,
        %mul3A_64 = arith.constant 256 : i32
        %mul3A_65 = arith.muli %scan3A_23, %mul3A_64 : i32
        %add3A_66 = arith.constant 48 : i32
        %add3A_67 = arith.addi %mul3A_65, %add3A_66 : i32
        %swap3A_68 = arith.index_cast %add3A_67 : i32 to index
        %swap3A_69 = tpu.vector_load %arg9[%swap3A_68] {strides = array<i32>} : memref<8192xf32, #tpu.memory_space<vmem>>, vector<16xf32>,
        tpu.vector_store %arg9[%swap3A_68], %gather3A_63 {strides = array<i32>} : memref<8192xf32, #tpu.memory_space<vmem>>, vector<16xf32>,
        %add3A_70 = arith.constant 64 : i32
        %add3A_71 = arith.addi %add3A_28, %add3A_70 : i32
        %get3A_72 = arith.index_cast %add3A_71 : i32 to index
        %get3A_73 = tpu.vector_load %arg8[%get3A_72] {strides = array<i32>} : memref<16384xi32, #tpu.memory_space<vmem>>, vector<16xi32>,
        %gather3A_74 = tpu.vector_load_idx %arg7[%get3A_73] : memref<100000xf32, #tpu.memory_space<vmem>>[vector<16xi32>], vector<16xf32>,
        %mul3A_75 = arith.constant 256 : i32
        %mul3A_76 = arith.muli %scan3A_23, %mul3A_75 : i32
        %add3A_77 = arith.constant 64 : i32
        %add3A_78 = arith.addi %mul3A_76, %add3A_77 : i32
        %swap3A_79 = arith.index_cast %add3A_78 : i32 to index
        %swap3A_80 = tpu.vector_load %arg9[%swap3A_79] {strides = array<i32>} : memref<8192xf32, #tpu.memory_space<vmem>>, vector<16xf32>,
        tpu.vector_store %arg9[%swap3A_79], %gather3A_74 {strides = array<i32>} : memref<8192xf32, #tpu.memory_space<vmem>>, vector<16xf32>,
        %add3A_81 = arith.constant 80 : i32
        %add3A_82 = arith.addi %add3A_28, %add3A_81 : i32
        %get3A_83 = arith.index_cast %add3A_82 : i32 to index
        %get3A_84 = tpu.vector_load %arg8[%get3A_83] {strides = array<i32>} : memref<16384xi32, #tpu.memory_space<vmem>>, vector<16xi32>,
        %gather3A_85 = tpu.vector_load_idx %arg7[%get3A_84] : memref<100000xf32, #tpu.memory_space<vmem>>[vector<16xi32>], vector<16xf32>,
        %mul3A_86 = arith.constant 256 : i32
        %mul3A_87 = arith.muli %scan3A_23, %mul3A_86 : i32
        %add3A_88 = arith.constant 80 : i32
        %add3A_89 = arith.addi %mul3A_87, %add3A_88 : i32
        %swap3A_90 = arith.index_cast %add3A_89 : i32 to index
        %swap3A_91 = tpu.vector_load %arg9[%swap3A_90] {strides = array<i32>} : memref<8192xf32, #tpu.memory_space<vmem>>, vector<16xf32>,
        tpu.vector_store %arg9[%swap3A_90], %gather3A_85 {strides = array<i32>} : memref<8192xf32, #tpu.memory_space<vmem>>, vector<16xf32>,
        %add3A_92 = arith.constant 96 : i32
        %add3A_93 = arith.addi %add3A_28, %add3A_92 : i32
        %get3A_94 = arith.index_cast %add3A_93 : i32 to index
        %get3A_95 = tpu.vector_load %arg8[%get3A_94] {strides = array<i32>} : memref<16384xi32, #tpu.memory_space<vmem>>, vector<16xi32>,
        %gather3A_96 = tpu.vector_load_idx %arg7[%get3A_95] : memref<100000xf32, #tpu.memory_space<vmem>>[vector<16xi32>], vector<16xf32>,
        %mul3A_97 = arith.constant 256 : i32
        %mul3A_98 = arith.muli %scan3A_23, %mul3A_97 : i32
        %add3A_99 = arith.constant 96 : i32
        %add3A_100 = arith.addi %mul3A_98, %add3A_99 : i32
        %swap3A_101 = arith.index_cast %add3A_100 : i32 to index
        %swap3A_102 = tpu.vector_load %arg9[%swap3A_101] {strides = array<i32>} : memref<8192xf32, #tpu.memory_space<vmem>>, vector<16xf32>,
        tpu.vector_store %arg9[%swap3A_101], %gather3A_96 {strides = array<i32>} : memref<8192xf32, #tpu.memory_space<vmem>>, vector<16xf32>,
        %add3A_103 = arith.constant 112 : i32
        %add3A_104 = arith.addi %add3A_28, %add3A_103 : i32
        %get3A_105 = arith.index_cast %add3A_104 : i32 to index
        %get3A_106 = tpu.vector_load %arg8[%get3A_105] {strides = array<i32>} : memref<16384xi32, #tpu.memory_space<vmem>>, vector<16xi32>,
        %gather3A_107 = tpu.vector_load_idx %arg7[%get3A_106] : memref<100000xf32, #tpu.memory_space<vmem>>[vector<16xi32>], vector<16xf32>,
        %mul3A_108 = arith.constant 256 : i32
        %mul3A_109 = arith.muli %scan3A_23, %mul3A_108 : i32
        %add3A_110 = arith.constant 112 : i32
        %add3A_111 = arith.addi %mul3A_109, %add3A_110 : i32
        %swap3A_112 = arith.index_cast %add3A_111 : i32 to index
        %swap3A_113 = tpu.vector_load %arg9[%swap3A_112] {strides = array<i32>} : memref<8192xf32, #tpu.memory_space<vmem>>, vector<16xf32>,
        tpu.vector_store %arg9[%swap3A_112], %gather3A_107 {strides = array<i32>} : memref<8192xf32, #tpu.memory_space<vmem>>, vector<16xf32>,
        %add3A_114 = arith.constant 128 : i32
        %add3A_115 = arith.addi %add3A_28, %add3A_114 : i32
        %get3A_116 = arith.index_cast %add3A_115 : i32 to index
        %get3A_117 = tpu.vector_load %arg8[%get3A_116] {strides = array<i32>} : memref<16384xi32, #tpu.memory_space<vmem>>, vector<16xi32>,
        %gather3A_118 = tpu.vector_load_idx %arg7[%get3A_117] : memref<100000xf32, #tpu.memory_space<vmem>>[vector<16xi32>], vector<16xf32>,
        %mul3A_119 = arith.constant 256 : i32
        %mul3A_120 = arith.muli %scan3A_23, %mul3A_119 : i32
        %add3A_121 = arith.constant 128 : i32
        %add3A_122 = arith.addi %mul3A_120, %add3A_121 : i32
        %swap3A_123 = arith.index_cast %add3A_122 : i32 to index
        %swap3A_124 = tpu.vector_load %arg9[%swap3A_123] {strides = array<i32>} : memref<8192xf32, #tpu.memory_space<vmem>>, vector<16xf32>,
        tpu.vector_store %arg9[%swap3A_123], %gather3A_118 {strides = array<i32>} : memref<8192xf32, #tpu.memory_space<vmem>>, vector<16xf32>,
        %add3A_125 = arith.constant 144 : i32
        %add3A_126 = arith.addi %add3A_28, %add3A_125 : i32
        %get3A_127 = arith.index_cast %add3A_126 : i32 to index
        %get3A_128 = tpu.vector_load %arg8[%get3A_127] {strides = array<i32>} : memref<16384xi32, #tpu.memory_space<vmem>>, vector<16xi32>,
        %gather3A_129 = tpu.vector_load_idx %arg7[%get3A_128] : memref<100000xf32, #tpu.memory_space<vmem>>[vector<16xi32>], vector<16xf32>,
        %mul3A_130 = arith.constant 256 : i32
        %mul3A_131 = arith.muli %scan3A_23, %mul3A_130 : i32
        %add3A_132 = arith.constant 144 : i32
        %add3A_133 = arith.addi %mul3A_131, %add3A_132 : i32
        %swap3A_134 = arith.index_cast %add3A_133 : i32 to index
        %swap3A_135 = tpu.vector_load %arg9[%swap3A_134] {strides = array<i32>} : memref<8192xf32, #tpu.memory_space<vmem>>, vector<16xf32>,
        tpu.vector_store %arg9[%swap3A_134], %gather3A_129 {strides = array<i32>} : memref<8192xf32, #tpu.memory_space<vmem>>, vector<16xf32>,
        %add3A_136 = arith.constant 160 : i32
        %add3A_137 = arith.addi %add3A_28, %add3A_136 : i32
        %get3A_138 = arith.index_cast %add3A_137 : i32 to index
        %get3A_139 = tpu.vector_load %arg8[%get3A_138] {strides = array<i32>} : memref<16384xi32, #tpu.memory_space<vmem>>, vector<16xi32>,
        %gather3A_140 = tpu.vector_load_idx %arg7[%get3A_139] : memref<100000xf32, #tpu.memory_space<vmem>>[vector<16xi32>], vector<16xf32>,
        %mul3A_141 = arith.constant 256 : i32
        %mul3A_142 = arith.muli %scan3A_23, %mul3A_141 : i32
        %add3A_143 = arith.constant 160 : i32
        %add3A_144 = arith.addi %mul3A_142, %add3A_143 : i32
        %swap3A_145 = arith.index_cast %add3A_144 : i32 to index
        %swap3A_146 = tpu.vector_load %arg9[%swap3A_145] {strides = array<i32>} : memref<8192xf32, #tpu.memory_space<vmem>>, vector<16xf32>,
        tpu.vector_store %arg9[%swap3A_145], %gather3A_140 {strides = array<i32>} : memref<8192xf32, #tpu.memory_space<vmem>>, vector<16xf32>,
        %add3A_147 = arith.constant 176 : i32
        %add3A_148 = arith.addi %add3A_28, %add3A_147 : i32
        %get3A_149 = arith.index_cast %add3A_148 : i32 to index
        %get3A_150 = tpu.vector_load %arg8[%get3A_149] {strides = array<i32>} : memref<16384xi32, #tpu.memory_space<vmem>>, vector<16xi32>,
        %gather3A_151 = tpu.vector_load_idx %arg7[%get3A_150] : memref<100000xf32, #tpu.memory_space<vmem>>[vector<16xi32>], vector<16xf32>,
        %mul3A_152 = arith.constant 256 : i32
        %mul3A_153 = arith.muli %scan3A_23, %mul3A_152 : i32
        %add3A_154 = arith.constant 176 : i32
        %add3A_155 = arith.addi %mul3A_153, %add3A_154 : i32
        %swap3A_156 = arith.index_cast %add3A_155 : i32 to index
        %swap3A_157 = tpu.vector_load %arg9[%swap3A_156] {strides = array<i32>} : memref<8192xf32, #tpu.memory_space<vmem>>, vector<16xf32>,
        tpu.vector_store %arg9[%swap3A_156], %gather3A_151 {strides = array<i32>} : memref<8192xf32, #tpu.memory_space<vmem>>, vector<16xf32>,
        %add3A_158 = arith.constant 192 : i32
        %add3A_159 = arith.addi %add3A_28, %add3A_158 : i32
        %get3A_160 = arith.index_cast %add3A_159 : i32 to index
        %get3A_161 = tpu.vector_load %arg8[%get3A_160] {strides = array<i32>} : memref<16384xi32, #tpu.memory_space<vmem>>, vector<16xi32>,
        %gather3A_162 = tpu.vector_load_idx %arg7[%get3A_161] : memref<100000xf32, #tpu.memory_space<vmem>>[vector<16xi32>], vector<16xf32>,
        %mul3A_163 = arith.constant 256 : i32
        %mul3A_164 = arith.muli %scan3A_23, %mul3A_163 : i32
        %add3A_165 = arith.constant 192 : i32
        %add3A_166 = arith.addi %mul3A_164, %add3A_165 : i32
        %swap3A_167 = arith.index_cast %add3A_166 : i32 to index
        %swap3A_168 = tpu.vector_load %arg9[%swap3A_167] {strides = array<i32>} : memref<8192xf32, #tpu.memory_space<vmem>>, vector<16xf32>,
        tpu.vector_store %arg9[%swap3A_167], %gather3A_162 {strides = array<i32>} : memref<8192xf32, #tpu.memory_space<vmem>>, vector<16xf32>,
        %add3A_169 = arith.constant 208 : i32
        %add3A_170 = arith.addi %add3A_28, %add3A_169 : i32
        %get3A_171 = arith.index_cast %add3A_170 : i32 to index
        %get3A_172 = tpu.vector_load %arg8[%get3A_171] {strides = array<i32>} : memref<16384xi32, #tpu.memory_space<vmem>>, vector<16xi32>,
        %gather3A_173 = tpu.vector_load_idx %arg7[%get3A_172] : memref<100000xf32, #tpu.memory_space<vmem>>[vector<16xi32>], vector<16xf32>,
        %mul3A_174 = arith.constant 256 : i32
        %mul3A_175 = arith.muli %scan3A_23, %mul3A_174 : i32
        %add3A_176 = arith.constant 208 : i32
        %add3A_177 = arith.addi %mul3A_175, %add3A_176 : i32
        %swap3A_178 = arith.index_cast %add3A_177 : i32 to index
        %swap3A_179 = tpu.vector_load %arg9[%swap3A_178] {strides = array<i32>} : memref<8192xf32, #tpu.memory_space<vmem>>, vector<16xf32>,
        tpu.vector_store %arg9[%swap3A_178], %gather3A_173 {strides = array<i32>} : memref<8192xf32, #tpu.memory_space<vmem>>, vector<16xf32>,
        %add3A_180 = arith.constant 224 : i32
        %add3A_181 = arith.addi %add3A_28, %add3A_180 : i32
        %get3A_182 = arith.index_cast %add3A_181 : i32 to index
        %get3A_183 = tpu.vector_load %arg8[%get3A_182] {strides = array<i32>} : memref<16384xi32, #tpu.memory_space<vmem>>, vector<16xi32>,
        %gather3A_184 = tpu.vector_load_idx %arg7[%get3A_183] : memref<100000xf32, #tpu.memory_space<vmem>>[vector<16xi32>], vector<16xf32>,
        %mul3A_185 = arith.constant 256 : i32
        %mul3A_186 = arith.muli %scan3A_23, %mul3A_185 : i32
        %add3A_187 = arith.constant 224 : i32
        %add3A_188 = arith.addi %mul3A_186, %add3A_187 : i32
        %swap3A_189 = arith.index_cast %add3A_188 : i32 to index
        %swap3A_190 = tpu.vector_load %arg9[%swap3A_189] {strides = array<i32>} : memref<8192xf32, #tpu.memory_space<vmem>>, vector<16xf32>,
        tpu.vector_store %arg9[%swap3A_189], %gather3A_184 {strides = array<i32>} : memref<8192xf32, #tpu.memory_space<vmem>>, vector<16xf32>,
        %add3A_191 = arith.constant 240 : i32
        %add3A_192 = arith.addi %add3A_28, %add3A_191 : i32
        %get3A_193 = arith.index_cast %add3A_192 : i32 to index
        %get3A_194 = tpu.vector_load %arg8[%get3A_193] {strides = array<i32>} : memref<16384xi32, #tpu.memory_space<vmem>>, vector<16xi32>,
        %gather3A_195 = tpu.vector_load_idx %arg7[%get3A_194] : memref<100000xf32, #tpu.memory_space<vmem>>[vector<16xi32>], vector<16xf32>,
        %mul3A_196 = arith.constant 256 : i32
        %mul3A_197 = arith.muli %scan3A_23, %mul3A_196 : i32
        %add3A_198 = arith.constant 240 : i32
        %add3A_199 = arith.addi %mul3A_197, %add3A_198 : i32
        %swap3A_200 = arith.index_cast %add3A_199 : i32 to index
        %swap3A_201 = tpu.vector_load %arg9[%swap3A_200] {strides = array<i32>} : memref<8192xf32, #tpu.memory_space<vmem>>, vector<16xf32>,
        tpu.vector_store %arg9[%swap3A_200], %gather3A_195 {strides = array<i32>} : memref<8192xf32, #tpu.memory_space<vmem>>, vector<16xf32>,
        %scan3A_202 = arith.constant 0 : i32
        scf.yield %scan3A_202 : i32
      }
      %scan3A_22 = arith.constant 32 : i32
      "tpu.region"() ({
        %run_scoped3A = tpu.sem_alloc : memref<!tpu.dma_semaphore, #tpu.memory_space<semaphore_mem>>
        %dma_start3A = arith.constant 0 : i32
        %dma_start3A_23 = tpu.memref_slice %arg6[%add3A, %dma_start3A] : memref<26x16384xf32, #tpu.memory_space<hbm>> -> memref<1x16384xf32, #tpu.memory_space<hbm>>
        %dma_start3A_24 = tpu.memref_squeeze %dma_start3A_23 : memref<1x16384xf32, #tpu.memory_space<hbm>> -> memref<16384xf32, #tpu.memory_space<hbm>>
        %dma_start3A_25 = arith.constant 8192 : i32
        %dma_start3A_26 = tpu.memref_slice %dma_start3A_24[%dma_start3A_25] : memref<16384xf32, #tpu.memory_space<hbm>> -> memref<8192xf32, #tpu.memory_space<hbm>>
        %dma_start3A_27 = arith.constant 0 : i32
        %dma_start3A_28 = tpu.memref_slice %arg6[%add3A, %dma_start3A_27] : memref<26x16384xf32, #tpu.memory_space<hbm>> -> memref<1x16384xf32, #tpu.memory_space<hbm>>
        %dma_start3A_29 = tpu.memref_squeeze %dma_start3A_28 : memref<1x16384xf32, #tpu.memory_space<hbm>> -> memref<16384xf32, #tpu.memory_space<hbm>>
        %dma_start3A_30 = arith.constant 8192 : i32
        %dma_start3A_31 = tpu.memref_slice %dma_start3A_29[%dma_start3A_30] : memref<16384xf32, #tpu.memory_space<hbm>> -> memref<8192xf32, #tpu.memory_space<hbm>>
        tpu.enqueue_dma source(%arg9 : memref<8192xf32, #tpu.memory_space<vmem>>) target(%dma_start3A_31 : memref<8192xf32, #tpu.memory_space<hbm>>) target_semaphore(%run_scoped3A : memref<!tpu.dma_semaphore, #tpu.memory_space<semaphore_mem>>)
        %dma_wait3A = arith.constant 0 : i32
        %dma_wait3A_32 = tpu.memref_slice %arg6[%add3A, %dma_wait3A] : memref<26x16384xf32, #tpu.memory_space<hbm>> -> memref<1x16384xf32, #tpu.memory_space<hbm>>
        %dma_wait3A_33 = tpu.memref_squeeze %dma_wait3A_32 : memref<1x16384xf32, #tpu.memory_space<hbm>> -> memref<16384xf32, #tpu.memory_space<hbm>>
        %dma_wait3A_34 = arith.constant 8192 : i32
        %dma_wait3A_35 = tpu.memref_slice %dma_wait3A_33[%dma_wait3A_34] : memref<16384xf32, #tpu.memory_space<hbm>> -> memref<8192xf32, #tpu.memory_space<hbm>>
        %dma_wait3A_36 = arith.constant 0 : i32
        %dma_wait3A_37 = tpu.memref_slice %arg6[%add3A, %dma_wait3A_36] : memref<26x16384xf32, #tpu.memory_space<hbm>> -> memref<1x16384xf32, #tpu.memory_space<hbm>>
        %dma_wait3A_38 = tpu.memref_squeeze %dma_wait3A_37 : memref<1x16384xf32, #tpu.memory_space<hbm>> -> memref<16384xf32, #tpu.memory_space<hbm>>
        %dma_wait3A_39 = arith.constant 8192 : i32
        %dma_wait3A_40 = tpu.memref_slice %dma_wait3A_38[%dma_wait3A_39] : memref<16384xf32, #tpu.memory_space<hbm>> -> memref<8192xf32, #tpu.memory_space<hbm>>
        tpu.wait_dma2 semaphore(%run_scoped3A : memref<!tpu.dma_semaphore, #tpu.memory_space<semaphore_mem>>) src(%arg9 : memref<8192xf32, #tpu.memory_space<vmem>>) dst(%dma_wait3A_40 : memref<8192xf32, #tpu.memory_space<hbm>>)
        tpu.yield
      }) : () -> ()
    } else {
    }
    return
  }
}

module attributes {stable_mosaic.version = 14 : i64} {
  func.func @_dense_body(%arg0: i32, %arg1: memref<832x4096xf32, #tpu.memory_space<vmem>>, %arg2: memref<26x4096xf32, #tpu.memory_space<vmem>>, %arg3: memref<256x832xf32, #tpu.memory_space<vmem>>, %arg4: memref<256x1xf32, #tpu.memory_space<vmem>>, %arg5: memref<128x256xf32, #tpu.memory_space<vmem>>, %arg6: memref<128x1xf32, #tpu.memory_space<vmem>>, %arg7: memref<64x128xf32, #tpu.memory_space<vmem>>, %arg8: memref<64x1xf32, #tpu.memory_space<vmem>>, %arg9: memref<1x64xf32, #tpu.memory_space<vmem>>, %arg10: memref<1x1xf32, #tpu.memory_space<vmem>>, %arg11: memref<1x4096xf32, #tpu.memory_space<vmem>>) attributes {dimension_semantics = [#tpu.dimension_semantics<arbitrary>], iteration_bounds = array<i64: 4>, scalar_prefetch = 0 : i64, scratch_operands = 0 : i64, tpu.core_type = #tpu.core_type<tc>, window_params = [{transform_indices = @transform_0, window_bounds = array<i64: 832, 4096>}, {transform_indices = @transform_1, window_bounds = array<i64: 26, 4096>}, {pipeline_mode = #tpu.pipeline_mode<synchronous>, transform_indices = @transform_2, window_bounds = array<i64: 256, 832>}, {pipeline_mode = #tpu.pipeline_mode<synchronous>, transform_indices = @transform_3, window_bounds = array<i64: 256, 1>}, {pipeline_mode = #tpu.pipeline_mode<synchronous>, transform_indices = @transform_4, window_bounds = array<i64: 128, 256>}, {pipeline_mode = #tpu.pipeline_mode<synchronous>, transform_indices = @transform_5, window_bounds = array<i64: 128, 1>}, {pipeline_mode = #tpu.pipeline_mode<synchronous>, transform_indices = @transform_6, window_bounds = array<i64: 64, 128>}, {pipeline_mode = #tpu.pipeline_mode<synchronous>, transform_indices = @transform_7, window_bounds = array<i64: 64, 1>}, {pipeline_mode = #tpu.pipeline_mode<synchronous>, transform_indices = @transform_8, window_bounds = array<i64: 1, 64>}, {pipeline_mode = #tpu.pipeline_mode<synchronous>, transform_indices = @transform_9, window_bounds = array<i64: 1, 1>}, {transform_indices = @transform_10, window_bounds = array<i64: 1, 4096>}]} {
    %get3A = arith.constant 0 : index
    %get3A_0 = arith.constant 0 : index
    %get3A_1 = vector.load %arg1[%get3A, %get3A_0] : memref<832x4096xf32, #tpu.memory_space<vmem>>, vector<832x4096xf32>
    %slice3A = vector.extract_strided_slice %get3A_1 {offsets = [0, 0], sizes = [32, 4096], strides = [1, 1]} : vector<832x4096xf32> to vector<32x4096xf32>
    %slice3A_2 = vector.extract_strided_slice %get3A_1 {offsets = [32, 0], sizes = [32, 4096], strides = [1, 1]} : vector<832x4096xf32> to vector<32x4096xf32>
    %add3A = arith.addf %slice3A, %slice3A_2 : vector<32x4096xf32>
    %slice3A_3 = vector.extract_strided_slice %get3A_1 {offsets = [64, 0], sizes = [32, 4096], strides = [1, 1]} : vector<832x4096xf32> to vector<32x4096xf32>
    %add3A_4 = arith.addf %add3A, %slice3A_3 : vector<32x4096xf32>
    %slice3A_5 = vector.extract_strided_slice %get3A_1 {offsets = [96, 0], sizes = [32, 4096], strides = [1, 1]} : vector<832x4096xf32> to vector<32x4096xf32>
    %add3A_6 = arith.addf %add3A_4, %slice3A_5 : vector<32x4096xf32>
    %slice3A_7 = vector.extract_strided_slice %get3A_1 {offsets = [128, 0], sizes = [32, 4096], strides = [1, 1]} : vector<832x4096xf32> to vector<32x4096xf32>
    %add3A_8 = arith.addf %add3A_6, %slice3A_7 : vector<32x4096xf32>
    %slice3A_9 = vector.extract_strided_slice %get3A_1 {offsets = [160, 0], sizes = [32, 4096], strides = [1, 1]} : vector<832x4096xf32> to vector<32x4096xf32>
    %add3A_10 = arith.addf %add3A_8, %slice3A_9 : vector<32x4096xf32>
    %slice3A_11 = vector.extract_strided_slice %get3A_1 {offsets = [192, 0], sizes = [32, 4096], strides = [1, 1]} : vector<832x4096xf32> to vector<32x4096xf32>
    %add3A_12 = arith.addf %add3A_10, %slice3A_11 : vector<32x4096xf32>
    %slice3A_13 = vector.extract_strided_slice %get3A_1 {offsets = [224, 0], sizes = [32, 4096], strides = [1, 1]} : vector<832x4096xf32> to vector<32x4096xf32>
    %add3A_14 = arith.addf %add3A_12, %slice3A_13 : vector<32x4096xf32>
    %slice3A_15 = vector.extract_strided_slice %get3A_1 {offsets = [256, 0], sizes = [32, 4096], strides = [1, 1]} : vector<832x4096xf32> to vector<32x4096xf32>
    %add3A_16 = arith.addf %add3A_14, %slice3A_15 : vector<32x4096xf32>
    %slice3A_17 = vector.extract_strided_slice %get3A_1 {offsets = [288, 0], sizes = [32, 4096], strides = [1, 1]} : vector<832x4096xf32> to vector<32x4096xf32>
    %add3A_18 = arith.addf %add3A_16, %slice3A_17 : vector<32x4096xf32>
    %slice3A_19 = vector.extract_strided_slice %get3A_1 {offsets = [320, 0], sizes = [32, 4096], strides = [1, 1]} : vector<832x4096xf32> to vector<32x4096xf32>
    %add3A_20 = arith.addf %add3A_18, %slice3A_19 : vector<32x4096xf32>
    %slice3A_21 = vector.extract_strided_slice %get3A_1 {offsets = [352, 0], sizes = [32, 4096], strides = [1, 1]} : vector<832x4096xf32> to vector<32x4096xf32>
    %add3A_22 = arith.addf %add3A_20, %slice3A_21 : vector<32x4096xf32>
    %slice3A_23 = vector.extract_strided_slice %get3A_1 {offsets = [384, 0], sizes = [32, 4096], strides = [1, 1]} : vector<832x4096xf32> to vector<32x4096xf32>
    %add3A_24 = arith.addf %add3A_22, %slice3A_23 : vector<32x4096xf32>
    %slice3A_25 = vector.extract_strided_slice %get3A_1 {offsets = [416, 0], sizes = [32, 4096], strides = [1, 1]} : vector<832x4096xf32> to vector<32x4096xf32>
    %add3A_26 = arith.addf %add3A_24, %slice3A_25 : vector<32x4096xf32>
    %slice3A_27 = vector.extract_strided_slice %get3A_1 {offsets = [448, 0], sizes = [32, 4096], strides = [1, 1]} : vector<832x4096xf32> to vector<32x4096xf32>
    %add3A_28 = arith.addf %add3A_26, %slice3A_27 : vector<32x4096xf32>
    %slice3A_29 = vector.extract_strided_slice %get3A_1 {offsets = [480, 0], sizes = [32, 4096], strides = [1, 1]} : vector<832x4096xf32> to vector<32x4096xf32>
    %add3A_30 = arith.addf %add3A_28, %slice3A_29 : vector<32x4096xf32>
    %slice3A_31 = vector.extract_strided_slice %get3A_1 {offsets = [512, 0], sizes = [32, 4096], strides = [1, 1]} : vector<832x4096xf32> to vector<32x4096xf32>
    %add3A_32 = arith.addf %add3A_30, %slice3A_31 : vector<32x4096xf32>
    %slice3A_33 = vector.extract_strided_slice %get3A_1 {offsets = [544, 0], sizes = [32, 4096], strides = [1, 1]} : vector<832x4096xf32> to vector<32x4096xf32>
    %add3A_34 = arith.addf %add3A_32, %slice3A_33 : vector<32x4096xf32>
    %slice3A_35 = vector.extract_strided_slice %get3A_1 {offsets = [576, 0], sizes = [32, 4096], strides = [1, 1]} : vector<832x4096xf32> to vector<32x4096xf32>
    %add3A_36 = arith.addf %add3A_34, %slice3A_35 : vector<32x4096xf32>
    %slice3A_37 = vector.extract_strided_slice %get3A_1 {offsets = [608, 0], sizes = [32, 4096], strides = [1, 1]} : vector<832x4096xf32> to vector<32x4096xf32>
    %add3A_38 = arith.addf %add3A_36, %slice3A_37 : vector<32x4096xf32>
    %slice3A_39 = vector.extract_strided_slice %get3A_1 {offsets = [640, 0], sizes = [32, 4096], strides = [1, 1]} : vector<832x4096xf32> to vector<32x4096xf32>
    %add3A_40 = arith.addf %add3A_38, %slice3A_39 : vector<32x4096xf32>
    %slice3A_41 = vector.extract_strided_slice %get3A_1 {offsets = [672, 0], sizes = [32, 4096], strides = [1, 1]} : vector<832x4096xf32> to vector<32x4096xf32>
    %add3A_42 = arith.addf %add3A_40, %slice3A_41 : vector<32x4096xf32>
    %slice3A_43 = vector.extract_strided_slice %get3A_1 {offsets = [704, 0], sizes = [32, 4096], strides = [1, 1]} : vector<832x4096xf32> to vector<32x4096xf32>
    %add3A_44 = arith.addf %add3A_42, %slice3A_43 : vector<32x4096xf32>
    %slice3A_45 = vector.extract_strided_slice %get3A_1 {offsets = [736, 0], sizes = [32, 4096], strides = [1, 1]} : vector<832x4096xf32> to vector<32x4096xf32>
    %add3A_46 = arith.addf %add3A_44, %slice3A_45 : vector<32x4096xf32>
    %slice3A_47 = vector.extract_strided_slice %get3A_1 {offsets = [768, 0], sizes = [32, 4096], strides = [1, 1]} : vector<832x4096xf32> to vector<32x4096xf32>
    %add3A_48 = arith.addf %add3A_46, %slice3A_47 : vector<32x4096xf32>
    %slice3A_49 = vector.extract_strided_slice %get3A_1 {offsets = [800, 0], sizes = [32, 4096], strides = [1, 1]} : vector<832x4096xf32> to vector<32x4096xf32>
    %add3A_50 = arith.addf %add3A_48, %slice3A_49 : vector<32x4096xf32>
    %mul3A = arith.mulf %add3A_50, %add3A_50 : vector<32x4096xf32>
    %reduce_sum3A = arith.constant dense<0.000000e+00> : vector<4096xf32>
    %reduce_sum3A_51 = vector.multi_reduction <add>, %mul3A, %reduce_sum3A [0] : vector<32x4096xf32> to vector<4096xf32>
    %broadcast_in_dim3A = vector.shape_cast %reduce_sum3A_51 : vector<4096xf32> to vector<1x4096xf32>
    %mul3A_52 = arith.mulf %get3A_1, %get3A_1 : vector<832x4096xf32>
    %reduce_sum3A_53 = arith.constant dense<0.000000e+00> : vector<4096xf32>
    %reduce_sum3A_54 = vector.multi_reduction <add>, %mul3A_52, %reduce_sum3A_53 [0] : vector<832x4096xf32> to vector<4096xf32>
    %broadcast_in_dim3A_55 = vector.shape_cast %reduce_sum3A_54 : vector<4096xf32> to vector<1x4096xf32>
    %sub3A = arith.subf %broadcast_in_dim3A, %broadcast_in_dim3A_55 : vector<1x4096xf32>
    %mul3A_56 = arith.constant 5.000000e-01 : f32
    %mul3A_57 = vector.broadcast %mul3A_56 : f32 to vector<1x4096xf32>
    %mul3A_58 = arith.mulf %mul3A_57, %sub3A : vector<1x4096xf32>
    %get3A_59 = arith.constant 0 : index
    %get3A_60 = arith.constant 0 : index
    %get3A_61 = vector.load %arg2[%get3A_59, %get3A_60] : memref<26x4096xf32, #tpu.memory_space<vmem>>, vector<26x4096xf32>
    %reduce_sum3A_62 = arith.constant dense<0.000000e+00> : vector<4096xf32>
    %reduce_sum3A_63 = vector.multi_reduction <add>, %get3A_61, %reduce_sum3A_62 [0] : vector<26x4096xf32> to vector<4096xf32>
    %broadcast_in_dim3A_64 = vector.shape_cast %reduce_sum3A_63 : vector<4096xf32> to vector<1x4096xf32>
    %add3A_65 = arith.addf %broadcast_in_dim3A_64, %mul3A_58 : vector<1x4096xf32>
    %get3A_66 = arith.constant 0 : index
    %get3A_67 = arith.constant 0 : index
    %get3A_68 = vector.load %arg3[%get3A_66, %get3A_67] : memref<256x832xf32, #tpu.memory_space<vmem>>, vector<256x832xf32>
    %dot_general3A = arith.constant dense<0.000000e+00> : vector<256x4096xf32>
    %dot_general3A_69 = tpu.matmul %get3A_68, %get3A_1, %dot_general3A {dimension_numbers = #tpu.dot_dimension_numbers<[1], [0], [0], [1], [0, 0, 1, 1], [], []>, transpose_lhs_hint = false} : vector<256x832xf32>, vector<832x4096xf32>, vector<256x4096xf32> -> vector<256x4096xf32>
    %get3A_70 = arith.constant 0 : index
    %get3A_71 = arith.constant 0 : index
    %get3A_72 = vector.load %arg4[%get3A_70, %get3A_71] : memref<256x1xf32, #tpu.memory_space<vmem>>, vector<256x1xf32>
    %add3A_73 = vector.broadcast %get3A_72 : vector<256x1xf32> to vector<256x4096xf32>
    %add3A_74 = arith.addf %dot_general3A_69, %add3A_73 : vector<256x4096xf32>
    %max3A = arith.constant 0.000000e+00 : f32
    %max3A_75 = vector.broadcast %max3A : f32 to vector<256x4096xf32>
    %max3A_76 = arith.maximumf %add3A_74, %max3A_75 : vector<256x4096xf32>
    %get3A_77 = arith.constant 0 : index
    %get3A_78 = arith.constant 0 : index
    %get3A_79 = vector.load %arg5[%get3A_77, %get3A_78] : memref<128x256xf32, #tpu.memory_space<vmem>>, vector<128x256xf32>
    %dot_general3A_80 = arith.constant dense<0.000000e+00> : vector<128x4096xf32>
    %dot_general3A_81 = tpu.matmul %get3A_79, %max3A_76, %dot_general3A_80 {dimension_numbers = #tpu.dot_dimension_numbers<[1], [0], [0], [1], [0, 0, 1, 1], [], []>, transpose_lhs_hint = false} : vector<128x256xf32>, vector<256x4096xf32>, vector<128x4096xf32> -> vector<128x4096xf32>
    %get3A_82 = arith.constant 0 : index
    %get3A_83 = arith.constant 0 : index
    %get3A_84 = vector.load %arg6[%get3A_82, %get3A_83] : memref<128x1xf32, #tpu.memory_space<vmem>>, vector<128x1xf32>
    %add3A_85 = vector.broadcast %get3A_84 : vector<128x1xf32> to vector<128x4096xf32>
    %add3A_86 = arith.addf %dot_general3A_81, %add3A_85 : vector<128x4096xf32>
    %max3A_87 = arith.constant 0.000000e+00 : f32
    %max3A_88 = vector.broadcast %max3A_87 : f32 to vector<128x4096xf32>
    %max3A_89 = arith.maximumf %add3A_86, %max3A_88 : vector<128x4096xf32>
    %get3A_90 = arith.constant 0 : index
    %get3A_91 = arith.constant 0 : index
    %get3A_92 = vector.load %arg7[%get3A_90, %get3A_91] : memref<64x128xf32, #tpu.memory_space<vmem>>, vector<64x128xf32>
    %dot_general3A_93 = arith.constant dense<0.000000e+00> : vector<64x4096xf32>
    %dot_general3A_94 = tpu.matmul %get3A_92, %max3A_89, %dot_general3A_93 {dimension_numbers = #tpu.dot_dimension_numbers<[1], [0], [0], [1], [0, 0, 1, 1], [], []>, transpose_lhs_hint = false} : vector<64x128xf32>, vector<128x4096xf32>, vector<64x4096xf32> -> vector<64x4096xf32>
    %get3A_95 = arith.constant 0 : index
    %get3A_96 = arith.constant 0 : index
    %get3A_97 = vector.load %arg8[%get3A_95, %get3A_96] : memref<64x1xf32, #tpu.memory_space<vmem>>, vector<64x1xf32>
    %add3A_98 = vector.broadcast %get3A_97 : vector<64x1xf32> to vector<64x4096xf32>
    %add3A_99 = arith.addf %dot_general3A_94, %add3A_98 : vector<64x4096xf32>
    %max3A_100 = arith.constant 0.000000e+00 : f32
    %max3A_101 = vector.broadcast %max3A_100 : f32 to vector<64x4096xf32>
    %max3A_102 = arith.maximumf %add3A_99, %max3A_101 : vector<64x4096xf32>
    %get3A_103 = arith.constant 0 : index
    %get3A_104 = arith.constant 0 : index
    %get3A_105 = vector.load %arg9[%get3A_103, %get3A_104] : memref<1x64xf32, #tpu.memory_space<vmem>>, vector<1x64xf32>
    %dot_general3A_106 = arith.constant dense<0.000000e+00> : vector<1x4096xf32>
    %dot_general3A_107 = tpu.matmul %get3A_105, %max3A_102, %dot_general3A_106 {dimension_numbers = #tpu.dot_dimension_numbers<[1], [0], [0], [1], [0, 0, 1, 1], [], []>, transpose_lhs_hint = false} : vector<1x64xf32>, vector<64x4096xf32>, vector<1x4096xf32> -> vector<1x4096xf32>
    %get3A_108 = arith.constant 0 : index
    %get3A_109 = arith.constant 0 : index
    %get3A_110 = vector.load %arg10[%get3A_108, %get3A_109] : memref<1x1xf32, #tpu.memory_space<vmem>>, vector<1x1xf32>
    %add3A_111 = vector.broadcast %get3A_110 : vector<1x1xf32> to vector<1x4096xf32>
    %add3A_112 = arith.addf %dot_general3A_107, %add3A_111 : vector<1x4096xf32>
    %logistic3A = arith.negf %add3A_112 : vector<1x4096xf32>
    %logistic3A_113 = math.exp %logistic3A : vector<1x4096xf32>
    %logistic3A_114 = arith.constant 1.000000e+00 : f32
    %logistic3A_115 = vector.broadcast %logistic3A_114 : f32 to vector<1x4096xf32>
    %logistic3A_116 = arith.addf %logistic3A_115, %logistic3A_113 : vector<1x4096xf32>
    %logistic3A_117 = arith.divf %logistic3A_115, %logistic3A_116 : vector<1x4096xf32>
    %add3A_118 = arith.addf %add3A_65, %logistic3A_117 : vector<1x4096xf32>
    %logistic3A_119 = arith.negf %add3A_118 : vector<1x4096xf32>
    %logistic3A_120 = math.exp %logistic3A_119 : vector<1x4096xf32>
    %logistic3A_121 = arith.constant 1.000000e+00 : f32
    %logistic3A_122 = vector.broadcast %logistic3A_121 : f32 to vector<1x4096xf32>
    %logistic3A_123 = arith.addf %logistic3A_122, %logistic3A_120 : vector<1x4096xf32>
    %logistic3A_124 = arith.divf %logistic3A_122, %logistic3A_123 : vector<1x4096xf32>
    %swap3A = arith.constant 0 : index
    %swap3A_125 = arith.constant 0 : index
    %swap3A_126 = vector.load %arg11[%swap3A, %swap3A_125] : memref<1x4096xf32, #tpu.memory_space<vmem>>, vector<1x4096xf32>
    tpu.vector_store %arg11[%swap3A, %swap3A_125], %logistic3A_124 {strides = array<i32>} : memref<1x4096xf32, #tpu.memory_space<vmem>>, vector<1x4096xf32>,
    return
  }
  func.func @transform_0(%arg0: i32) -> (i32, i32) {
    %c0_i32 = arith.constant 0 : i32
    %c0_i32_0 = arith.constant 0 : i32
    return %c0_i32, %arg0 : i32, i32
  }
  func.func @transform_1(%arg0: i32) -> (i32, i32) {
    %c0_i32 = arith.constant 0 : i32
    %c0_i32_0 = arith.constant 0 : i32
    return %c0_i32, %arg0 : i32, i32
  }
  func.func @transform_2(%arg0: i32) -> (i32, i32) {
    %c0_i32 = arith.constant 0 : i32
    %c0_i32_0 = arith.constant 0 : i32
    %c0_i32_1 = arith.constant 0 : i32
    return %c0_i32, %c0_i32_0 : i32, i32
  }
  func.func @transform_3(%arg0: i32) -> (i32, i32) {
    %c0_i32 = arith.constant 0 : i32
    %c0_i32_0 = arith.constant 0 : i32
    %c0_i32_1 = arith.constant 0 : i32
    return %c0_i32, %c0_i32_0 : i32, i32
  }
  func.func @transform_4(%arg0: i32) -> (i32, i32) {
    %c0_i32 = arith.constant 0 : i32
    %c0_i32_0 = arith.constant 0 : i32
    %c0_i32_1 = arith.constant 0 : i32
    return %c0_i32, %c0_i32_0 : i32, i32
  }
  func.func @transform_5(%arg0: i32) -> (i32, i32) {
    %c0_i32 = arith.constant 0 : i32
    %c0_i32_0 = arith.constant 0 : i32
    %c0_i32_1 = arith.constant 0 : i32
    return %c0_i32, %c0_i32_0 : i32, i32
  }
  func.func @transform_6(%arg0: i32) -> (i32, i32) {
    %c0_i32 = arith.constant 0 : i32
    %c0_i32_0 = arith.constant 0 : i32
    %c0_i32_1 = arith.constant 0 : i32
    return %c0_i32, %c0_i32_0 : i32, i32
  }
  func.func @transform_7(%arg0: i32) -> (i32, i32) {
    %c0_i32 = arith.constant 0 : i32
    %c0_i32_0 = arith.constant 0 : i32
    %c0_i32_1 = arith.constant 0 : i32
    return %c0_i32, %c0_i32_0 : i32, i32
  }
  func.func @transform_8(%arg0: i32) -> (i32, i32) {
    %c0_i32 = arith.constant 0 : i32
    %c0_i32_0 = arith.constant 0 : i32
    %c0_i32_1 = arith.constant 0 : i32
    return %c0_i32, %c0_i32_0 : i32, i32
  }
  func.func @transform_9(%arg0: i32) -> (i32, i32) {
    %c0_i32 = arith.constant 0 : i32
    %c0_i32_0 = arith.constant 0 : i32
    %c0_i32_1 = arith.constant 0 : i32
    return %c0_i32, %c0_i32_0 : i32, i32
  }
  func.func @transform_10(%arg0: i32) -> (i32, i32) {
    %c0_i32 = arith.constant 0 : i32
    %c0_i32_0 = arith.constant 0 : i32
    return %c0_i32, %arg0 : i32, i32
  }
}

</mosaic_0001>

<sc_bundles>
// kernel: kernel.4.cloned.1.call-start
scs
__scs_entry_jumppad:
0x0: {  	(pc) =	sbr.rel $0x88, $3  }
0x1: {  	(tag) =	ssettag $0x0;
	lr =	simm.s32 $0x1  }
0x2: {  	[smem:$0x3F96] =	sst lr;
	_ =	strace $0xD0000000  }
0x3: {  	_ = 	snop  }
0x4: {  	_ = 	snop  }
0x5: {  	_ = 	snop  }
0x6: {  	_ = 	snop  }
0x7: {  	_ = 	snop  }
__scs_overlays_trampoline_lowered:
0x8: {  	[smem:$0x3FA5] =	sst s0  }
0x9: {  	[smem:$0x3FA6] =	sst s1  }
0xa: {  	[smem:$0x3FA7] =	sst s2  }
0xb: {  	[smem:$0x3FA8] =	sst s3  }
0xc: {  	[smem:$0x3FA9] =	sst s4  }
0xd: {  	[smem:$0x3FAA] =	sst s5  }
0xe: {  	[smem:$0x3FAB] =	sst s6  }
0xf: {  	[smem:$0x3FAC] =	sst s7  }
0x10: {  	[smem:$0x3FAD] =	sst s8  }
0x11: {  	[smem:$0x3FAE] =	sst s9;
	s0 =	simm.s32 @!p0 $0x0  }
0x12: {  	s1 =	sld [smem:$0x3F94];
	s0 =	simm.s32 @p0 $0x1  }
0x13: {  	[smem:$0x3FAF] =	sst s0;
	s0 =	simm.s32 @!p1 $0x0  }
0x14: {  	s2 =	sld [smem:$0x3F93];
	s0 =	simm.s32 @p1 $0x1  }
0x15: {  	[smem:$0x3FB0] =	sst s0;
	s0 =	simm.s32 @!p2 $0x0  }
0x16: {  	s3 =	sld [smem:$0x3FDB];
	s0 =	simm.s32 @p2 $0x1  }
0x17: {  	s4 =	simm.s32 $0x1BF5;
	[smem:$0x3FB2] =	sst s0  }
0x18: {  	s0 =	sld [smem:$0x3F95];
	_ =	swait.ge [sflag:s4], $0x0  }
0x19: {  	s7 =	sld [smem:$0x3F96]  }
0x1a: {  	s8 =	sadd.s32 $0xFFFFE003, lr  }
0x1b: {  	s9 =	sadd.s32 $0xFFFFFEF7, lr;
	s5 =	simm.s32 $0xFFFFFFFF;
	p2 =	slt.u32 s8, $0xFFFFF086  }
0x1c: {  	p1 =	slt.u32 s9, $0xF7A;
	s5 =	simm.s32 @!p2 $0x0  }
0x1d: {  	s5 =	simm.s32 @p1 $0x1;
	p0 =	seq.s32 s7, s2  }
0x1e: {  	s7 =	smul.u32 @!p0 $0xF7A, s2;
	p2 =	seq.s32 @!p0 s5, $0x0  }
0x1f: {  	s9 =	smul.u32 $0xF7A, s1;
	s8 =	simm.s32 @!p0 $0x1BF5;
	p2 =	por !p2, p0  }
0x20: {  	[sflag:s8] =	ssyncset.s32 @!p0 $0xFFFFF086;
	s6 =	sadd.s32 @!p0 s3, s7;
	s7 =	simm.s32 @!p0 $0x108  }
0x21: {  	s3 =	sadd.s32 s3, s9;
	s6 =	sadd.s32 @!p0 $0x88, s6;
	s7 =	simm.s32 @p2 $0x1082  }
0x22: {  	[simem:s7], [sflag:s8] =	dma.local @!p0 [hbm:s6], $0xF7A  }
0x23: {  	s9 =	sor.u32 $0xD0000000, s2;
	s6 =	simm.s32 $0x108;
	_ =	swait.ge @!p0 [sflag:s8], $0x0  }
0x24: {  	s3 =	sadd.s32 $0x88, s3;
	s6 =	simm.s32 @!p1 $0x1082;
	[sflag:s4] =	ssyncset.s32 $0xFFFFF086  }
0x25: {  	[simem:s6], [sflag:s4] =	dma.local [hbm:s3], $0xF7A  }
0x26: {  	[smem:$0x3F96] =	sst s1;
	(tag) =	ssettag s2;
	_ =	strace s9  }
0x27: {  	s1 =	sld [smem:$0x3FA6]  }
0x28: {  	s2 =	sld [smem:$0x3FA7]  }
0x29: {  	s4 =	sld [smem:$0x3FA9]  }
0x2a: {  	p0 =	seq.s32 s5, $0x0;
	s5 =	sld [smem:$0x3FAA]  }
0x2b: {  	s6 =	sld [smem:$0x3FAB]  }
0x2c: {  	s7 =	sld [smem:$0x3FAC]  }
0x2d: {  	s3 =	simm.s32 $0x108;
	s8 =	sld [smem:$0x3FAD]  }
0x2e: {  	s3 =	simm.s32 @!p0 $0x1082;
	s9 =	sld [smem:$0x3FAE]  }
0x2f: {  	lr =	sadd.s32 s0, s3;
	s0 =	sld [smem:$0x3FA5]  }
0x30: {  	s3 =	sld [smem:$0x3FA8]  }
0x31: {  	[smem:$0x3FB1] =	sst s10  }
0x32: {  	s10 =	sld [smem:$0x3FAF];
	_ =	sdelay $0x3  }
0x33: {  	p0 =	seq.s32 s10, $0x1;
	s10 =	sld [smem:$0x3FB1];
	_ =	sdelay $0x3  }
0x34: {  	[smem:$0x3FB1] =	sst s10  }
0x35: {  	s10 =	sld [smem:$0x3FB0];
	_ =	sdelay $0x3  }
0x36: {  	p1 =	seq.s32 s10, $0x1;
	s10 =	sld [smem:$0x3FB1];
	_ =	sdelay $0x3  }
0x37: {  	[smem:$0x3FB1] =	sst s10  }
0x38: {  	s10 =	sld [smem:$0x3FB2]  }
0x39: {  	_ = 	snop;
	(pc) =	sbr.ind lr, $3  }
0x3a: {  	_ = 	snop  }
0x3b: {  	_ = 	snop  }
0x3c: {  	p2 =	seq.s32 s10, $0x1;
	s10 =	sld [smem:$0x3FB1]  }
0x3d: {  	_ =	shalt  }
0x3e: {  	_ =	shalt  }
0x3f: {  	_ =	shalt  }
0x40: {  	_ =	shalt  }
0x41: {  	_ =	shalt  }
0x42: {  	_ =	shalt  }
0x43: {  	_ =	shalt  }
0x44: {  	_ =	shalt  }
0x45: {  	_ =	shalt  }
0x46: {  	_ =	shalt  }
0x47: {  	_ =	shalt  }
0x48: {  	_ =	shalt  }
0x49: {  	_ =	shalt  }
0x4a: {  	_ =	shalt  }
0x4b: {  	_ =	shalt  }
0x4c: {  	_ =	shalt  }
0x4d: {  	_ =	shalt  }
0x4e: {  	_ =	shalt  }
0x4f: {  	_ =	shalt  }
0x50: {  	_ =	shalt  }
0x51: {  	_ =	shalt  }
0x52: {  	_ =	shalt  }
0x53: {  	_ =	shalt  }
0x54: {  	_ =	shalt  }
0x55: {  	_ =	shalt  }
0x56: {  	_ =	shalt  }
0x57: {  	_ =	shalt  }
0x58: {  	_ =	shalt  }
0x59: {  	_ =	shalt  }
0x5a: {  	_ =	shalt  }
0x5b: {  	_ =	shalt  }
0x5c: {  	_ =	shalt  }
0x5d: {  	_ =	shalt  }
0x5e: {  	_ =	shalt  }
0x5f: {  	_ =	shalt  }
0x60: {  	_ =	shalt  }
0x61: {  	_ =	shalt  }
0x62: {  	_ =	shalt  }
0x63: {  	_ =	shalt  }
0x64: {  	_ =	shalt  }
0x65: {  	_ =	shalt  }
0x66: {  	_ =	shalt  }
0x67: {  	_ =	shalt  }
0x68: {  	_ =	shalt  }
0x69: {  	_ =	shalt  }
0x6a: {  	_ =	shalt  }
0x6b: {  	_ =	shalt  }
0x6c: {  	_ =	shalt  }
0x6d: {  	_ =	shalt  }
0x6e: {  	_ =	shalt  }
0x6f: {  	_ =	shalt  }
0x70: {  	_ =	shalt  }
0x71: {  	_ =	shalt  }
0x72: {  	_ =	shalt  }
0x73: {  	_ =	shalt  }
0x74: {  	_ =	shalt  }
0x75: {  	_ =	shalt  }
0x76: {  	_ =	shalt  }
0x77: {  	_ =	shalt  }
0x78: {  	_ =	shalt  }
0x79: {  	_ =	shalt  }
0x7a: {  	_ =	shalt  }
0x7b: {  	_ =	shalt  }
0x7c: {  	_ =	shalt  }
0x7d: {  	_ =	shalt  }
0x7e: {  	_ =	shalt  }
0x7f: {  	_ =	shalt  }
0x80: {  	_ =	shalt  }
0x81: {  	_ =	shalt  }
0x82: {  	_ =	shalt  }
0x83: {  	_ =	shalt  }
0x84: {  	_ =	shalt  }
0x85: {  	_ =	shalt  }
0x86: {  	_ =	shalt  }
0x87: {  	_ =	shalt  }
.Lfunc_end0:
.L_simem_size_0:
called_computation_lowered:
.L_overlay_start_0:
0x88: {  	s2 =	sld [smem:$0x3FD9]  }
0x89: {  	s3 =	sld [smem:$0x3FFE];
	_ =	sdelay $0x1  }
0x8a: {  	s1 =	srdreg.scid  }
0x8b: {  	s0 =	sand.u32 $0x1, s1  }
0x8c: {  	s17 =	sshll.u32 s0, $0xA;
	s2 =	sadd.s32 s3, s2  }
0x8d: {  	s2 =	sadd.s32 s2, s17  }
0x8e: {  	[smem:$0x3FBD] =	sst s2  }
0x8f: {  	_ = 	snop  }
0x90: {  	s2 =	sld [smem:$0x3FC9]  }
0x91: {  	s18 =	sld [smem:$0x3FC8];
	(tm) =	ssettm $0x1  }
0x92: {  	s4 =	sld [smem:$0x3FFB];
	_ =	sdelay $0x3  }
0x93: {  	_ =	strace s4  }
0x94: {  	s4 =	sld [smem:$0x3FFC];
	_ =	sdelay $0x3  }
0x95: {  	_ =	strace s4  }
0x96: {  	s4 =	sld [smem:$0x3FFD];
	_ =	sdelay $0x3  }
0x97: {  	_ =	strace s4  }
0x98: {  	_ =	strace $0x8FFFFFFF  }
0x99: {  	s19 =	sld [smem:$0x3FDB];
	_ =	sdelay $0x1  }
0x9a: {  	s5 =	simm.s32 $_scs_section_size  }
0x9b: {  	s6 =	simm.s32 $_size__tile_overlayer_lowered;
	s7 =	simm.s32 $_tile_overlayer_lowered  }
0x9c: {  	s22 =	simm.s32 $0x1BFF;
	s21 =	sshll.u32 s7, $0x1;
	s4 =	sadd.s32 s5, s19  }
0x9d: {  	s8 =	simm.s32 $0x0;
	s20 =	sshll.u32 s6, $0x1;
	s6 =	sadd.s32 s21, s4  }
0x9e: {  	[timem:s8], [sflag:s22] =	dma.local [hbm:s6], s20  }
0x9f: {  	_ =	swait.ge [sflag:s22], s20  }
0xa0: {  	s5 =	ssub.s32 $0x0, s20;
	[sflag:s22] =	ssyncset.done $0x0  }
0xa1: {  	[sflag:s22] =	ssyncadd.s32 s5;
	_ =	sdelay $0x1  }
0xa2: {  	s23 =	simm.s32 $0x1B8B  }
0xa3: {  	_ =	swait.ge [sflag:s23], $0x1  }
0xa4: {  	[sflag:s23] =	ssyncset.done $0x0  }
0xa5: {  	s25 =	simm.s32 $0x1B8E;
	s24 =	sld [smem:$0x3FFE];
	[sflag:s23] =	ssyncadd.s32 $0xFFFFFFFF  }
0xa6: {  	s26 =	simm.s32 $execute0_lowered;
	[smem:$0x3FD2] =	sst s25  }
0xa7: {  	s6 =	sshll.u32 s26, $0x1;
	_ =	strace $0x80000046;
	[dreg:$0x1] =	wrdreg $0xFFFFFFFF  }
0xa8: {  	s28 =	simm.s32 $_size_execute0_lowered;
	s4 =	sadd.s32 s4, s6;
	[dreg:$0x0] =	wrdreg $0x0  }
0xa9: {  	s6 =	sshll.u32 s28, $0x1;
	[dreg:$0x2] =	wrdreg s4  }
0xaa: {  	[dreg:$0x3] =	wrdreg s6  }
0xab: {  	[dreg:$0x4] =	wrdreg $0xC0  }
0xac: {  	_ =	task [dreg:s8], $0x5FFFF  }
0xad: {  	[dreg:$0x1] =	wrdreg $0xFFFFFFFF  }
0xae: {  	[dreg:$0x0] =	wrdreg $0x60  }
0xaf: {  	[dreg:$0x2] =	wrdreg s18  }
0xb0: {  	[dreg:$0x3] =	wrdreg s24  }
0xb1: {  	[dreg:$0x4] =	wrdreg s2  }
0xb2: {  	[dreg:$0x5] =	wrdreg $0x9  }
0xb3: {  	_ =	task.clear_ibuf [dreg:s8], $0x6FFFF;
	_ =	strace $0x90000046  }
0xb4: {  	s29 =	simm.s32 $0x9;
	_ =	strace $0x80000048  }
0xb5: {  	_ =	swait.ge [sflag:s29], $0x1  }
0xb6: {  	[sflag:s29] =	ssyncadd.s32 $0xFFFFFFFF  }
0xb7: {  	_ =	strace $0x90000048  }
0xb8: {  	_ =	sfence  }
0xb9: {  	s30 =	sld [smem:$0x0];
	_ =	sdelay $0x2  }
0xba: {  	s31 =	sshll.u32 s1, $0xD;
	s1 =	sshrl.u32 s1, $0x2  }
0xbb: {  	s3 =	sand.u32 $0x4000, s31;
	s1 =	sadd.s32 s1, s30  }
0xbc: {  	s0 =	sor.u32 s3, s0;
	s1 =	sshll.u32 s1, $0x11  }
0xbd: {  	s0 =	sor.u32 s1, s0  }
0xbe: {  	s0 =	sadd.s32 $0x8F2B, s0  }
0xbf: {  	[sflag:s0] =	ssyncadd.remote.s32 $0x1  }
0xc0: {  	_ =	sfence.sel $0xFFFF  }
0xc1: {  	[dreg:$0x0] =	wrdreg $0xFFFFFFFF;
	(pc) =	sbr.abs _section_cstart, $3  }
0xc2: {  	[dreg:$0x1] =	wrdreg $0xFFFFFFFF  }
0xc3: {  	_ =	task.clear_ibuf [dreg:s8], $0x2FFFF;
	_ =	strace $0x9FFFFFFF  }
0xc4: {  	(tm) =	ssettm $0x7FFFFFFF  }
0xc5: {  	_ =	shalt  }
tec
execute0_lowered:
.L_overlay_start_1:
0x0: {  	(tag) =	ssettag $0x1  }
0x1: {  	s1 =	rddreg [dreg:$0x0]  }
0x2: {  	s6 =	rddreg [dreg:$0x1]  }
0x3: {  	s2 =	srdreg.scid;
	s0 =	stileid.u32  }
0x4: {  	s3 =	rddreg [dreg:$0x2];
	s13 =	simm.s32 $0x1;
	s14 =	simm.s32 $0x1C700  }
0x5: {  	s15 =	simm.s32 $0x18700;
	s16 =	simm.s32 $0x0;
	s5 =	sand.u32 $0x1, s2  }
0x6: {  	s4 =	sshll.u32 s0, $0x1;
	s2 =	rddreg [dreg:$0x3];
	s8 =	sshrl.u32 s0, $0x2  }
0x7: {  	p0 =	sgt.u32 s0, $0xC;
	s7 =	sor.u32 s5, s4;
	s4 =	simm.s32 $0x0  }
0x8: {  	s10 =	smul.u32 $0xC3800, s8;
	s8 =	sshll.u32 s8, $0x11;
	s31 =	ssub.s32 $0x2, s5  }
0x9: {  	s5 =	sadd.s32 $0x73400, s6;
	s9 =	sshll.u32 s7, $0x7;
	[smem:$0x7FF] =	sst s4  }
0xa: {  	s11 =	sshrl.u32 s31, $0x1;
	s9 =	sand.u32 $0x380, s9;
	_ =	strace $0x80000047  }
.Ltmp0:
0xb: {  	s10 =	sor.u32 s10, s9;
	s8 =	sor.u32 s8, s9;
	(pc) =	sbr.rel .LBB2_1-.Ltmp0, $4  }
0xc: {  	s11 =	ssub.s32 s31, s11;
	s10 =	sshrl.u32 s10, $0x3;
	s8 =	sshrl.u32 s8, $0x3  }
0xd: {  	s10 =	sadd.s32 s10, s6;
	s12 =	sadd.s32 s8, s6;
	s6 =	smul.u32 $0x1A, s7  }
0xe: {  	s7 =	sadd.s32 s3, s8;
	s8 =	sadd.s32 $0x1800, s10;
	s9 =	sadd.s32 $0x63400, s12  }
0xf: {  	s10 =	smax.u32 s11, $0x1;
	s11 =	simm.s32 $0x80;
	s12 =	simm.s32 $0x400  }
.LBB2_13:
0x10: {  	s16 =	sadd.s32 $0x1, s16  }
0x11: {  	p1 =	sne.s32 s16, s10  }
.Ltmp1:
0x12: {  	_ = 	snop;
	(pc) =	sbr.rel @!p1 .LBB2_14-.Ltmp1, $1  }
0x13: {  	_ =	sdelay $0x3  }
.LBB2_1:
0x14: {  	s18 =	simm.s32 $0xFFFFFFFF;
	s17 =	simm.s32 $0x0  }
.LBB2_2:
0x15: {  	s20 =	sadd.s32 s6, s17  }
0x16: {  	s19 =	smov.u32 s18;
	s18 =	sshrl.u32 s20, $0x5  }
0x17: {  	p1 =	seq.s32 s18, s19  }
0x18: {  	s19 =	sshll.u32 @!p1 s18, $0x4  }
0x19: {  	s21 =	sshll.u32 @!p1 s18, $0xB;
	s19 =	sand.u32 @!p1 $0x70, s19  }
0x1a: {  	s22 =	simm.s32 @!p1 $0x400;
	s21 =	sand.u32 @!p1 $0xFFFC000, s21;
	s19 =	sadd.s32 @!p1 s3, s19  }
0x1b: {  	s23 =	simm.s32 @!p1 $0x18700;
	s19 =	sadd.s32 @!p1 s21, s19;
	s21 =	simm.s32 @!p1 $0x80  }
0x1c: {  	[tilespmem:s23], [sflag:$0x1] =	stream.strided.gather @!p1 [hbm4b:s19+s21], $0x4000, s22, s21, $0x38;
	[tilespmem:$0x1E700] =	vst v63  }
0x1d: {  	s19 =	sshrl.u32 s20, $0x3  }
0x1e: {  	s20 =	sshll.u32 s20, $0x7;
	s30 =	smul.u32 $0xC3800, s19  }
0x1f: {  	s22 =	simm.s32 @!p1 $0x1;
	s20 =	sand.u32 $0x380, s20  }
0x20: {  	_ =	swait.ge @!p1 [sflag:s22], $0x4000;
	s21 =	sor.u32 s20, s30  }
0x21: {  	[sflag:s22] =	ssyncset.done @!p1 $0x0;
	s21 =	sshrl.u32 s21, $0x3  }
0x22: {  	s31 =	simm.s32 $0x0;
	[sflag:s22] =	ssyncadd.s32 @!p1 $0xFFFFC000;
	s21 =	sadd.s32 s1, s21  }
0x23: {  	[tilespmem:s31], [sflag:$0x1] =	stream.strided.gather [hbm4b:s21+s11], $0x18700, s12, s11, $0x38;
	[tilespmem:$0x1E700] =	vst v63  }
0x24: {  	_ =	swait.ge [sflag:s13], $0x18700  }
0x25: {  	[sflag:s13] =	ssyncset.done $0x0  }
0x26: {  	s21 =	simm.s32 $0x0;
	[sflag:s13] =	ssyncadd.s32 $0xFFFE7900  }
0x27: {  	v0 =	vld [tilespmem:s21+$0x18700];
	_ =	sdelay $0x5  }
0x28: {  	v1 =	vld [tilespmem:s21+$0x18710];
	_ =	sdelay $0x1  }
0x29: {  	v0 =	vld.idx.msk [tilespmem:v0+s4+$0x0], $0xffff;
	_ =	sdelay $0x4  }
0x2a: {  	[tilespmem:s21+$0x1C700] =	vst v0;
	v0 =	vld [tilespmem:s21+$0x18720]  }
0x2b: {  	v1 =	vld.idx.msk [tilespmem:v1+s4+$0x0], $0xffff;
	_ =	sdelay $0x4  }
0x2c: {  	[tilespmem:s21+$0x1C710] =	vst v1;
	v1 =	vld [tilespmem:s21+$0x18730];
	_ =	sdelay $0x1  }
0x2d: {  	v0 =	vld.idx.msk [tilespmem:v0+s4+$0x0], $0xffff;
	_ =	sdelay $0x4  }
0x2e: {  	[tilespmem:s21+$0x1C720] =	vst v0;
	v0 =	vld [tilespmem:s21+$0x18740]  }
0x2f: {  	v1 =	vld.idx.msk [tilespmem:v1+s4+$0x0], $0xffff;
	_ =	sdelay $0x4  }
0x30: {  	[tilespmem:s21+$0x1C730] =	vst v1;
	v1 =	vld [tilespmem:s21+$0x18750];
	_ =	sdelay $0x1  }
0x31: {  	v0 =	vld.idx.msk [tilespmem:v0+s4+$0x0], $0xffff;
	_ =	sdelay $0x4  }
0x32: {  	[tilespmem:s21+$0x1C740] =	vst v0;
	v0 =	vld [tilespmem:s21+$0x18760]  }
0x33: {  	v1 =	vld.idx.msk [tilespmem:v1+s4+$0x0], $0xffff;
	_ =	sdelay $0x4  }
0x34: {  	[tilespmem:s21+$0x1C750] =	vst v1;
	v1 =	vld [tilespmem:s21+$0x18770];
	_ =	sdelay $0x1  }
0x35: {  	v0 =	vld.idx.msk [tilespmem:v0+s4+$0x0], $0xffff;
	_ =	sdelay $0x4  }
0x36: {  	[tilespmem:s21+$0x1C760] =	vst v0;
	v0 =	vld [tilespmem:s21+$0x18780]  }
0x37: {  	v1 =	vld.idx.msk [tilespmem:v1+s4+$0x0], $0xffff;
	_ =	sdelay $0x4  }
0x38: {  	[tilespmem:s21+$0x1C770] =	vst v1;
	v1 =	vld [tilespmem:s21+$0x18790];
	_ =	sdelay $0x1  }
0x39: {  	v0 =	vld.idx.msk [tilespmem:v0+s4+$0x0], $0xffff;
	_ =	sdelay $0x4  }
0x3a: {  	[tilespmem:s21+$0x1C780] =	vst v0;
	v0 =	vld [tilespmem:s21+$0x187A0]  }
0x3b: {  	v1 =	vld.idx.msk [tilespmem:v1+s4+$0x0], $0xffff;
	_ =	sdelay $0x4  }
0x3c: {  	[tilespmem:s21+$0x1C790] =	vst v1;
	v1 =	vld [tilespmem:s21+$0x187B0];
	_ =	sdelay $0x1  }
0x3d: {  	v0 =	vld.idx.msk [tilespmem:v0+s4+$0x0], $0xffff;
	_ =	sdelay $0x4  }
0x3e: {  	[tilespmem:s21+$0x1C7A0] =	vst v0;
	v0 =	vld [tilespmem:s21+$0x187C0]  }
0x3f: {  	v1 =	vld.idx.msk [tilespmem:v1+s4+$0x0], $0xffff;
	_ =	sdelay $0x4  }
0x40: {  	[tilespmem:s21+$0x1C7B0] =	vst v1;
	v1 =	vld [tilespmem:s21+$0x187D0];
	_ =	sdelay $0x1  }
0x41: {  	v0 =	vld.idx.msk [tilespmem:v0+s4+$0x0], $0xffff;
	_ =	sdelay $0x4  }
0x42: {  	v2 =	vld [tilespmem:s21+$0x187E0];
	[tilespmem:s21+$0x1C7C0] =	vst v0  }
0x43: {  	v0 =	vld.idx.msk [tilespmem:v1+s4+$0x0], $0xffff;
	_ =	sdelay $0x4  }
0x44: {  	[tilespmem:s21+$0x1C7D0] =	vst v0;
	v0 =	vld [tilespmem:s21+$0x187F0];
	_ =	sdelay $0x1  }
0x45: {  	v1 =	vld.idx.msk [tilespmem:v2+s4+$0x0], $0xffff;
	_ =	sdelay $0x3  }
0x46: {  	s23 =	simm.s32 $0x100;
	s22 =	simm.s32 $0x800  }
.LBB2_3:
0x47: {  	p1 =	sne.s32 s22, $0x7C00;
	v2 =	vld [tilespmem:s23+$0x18700];
	[tilespmem:s21+$0x1C7E0] =	vst v1  }
0x48: {  	v0 =	vld.idx.msk [tilespmem:v0+s4+$0x0], $0xffff;
	_ =	sdelay $0x5  }
0x49: {  	v1 =	vld [tilespmem:s23+$0x18710];
	[tilespmem:s21+$0x1C7F0] =	vst v0;
	s21 =	smov.u32 s23  }
0x4a: {  	v0 =	vld.idx.msk [tilespmem:v2+s4+$0x0], $0xffff;
	_ =	sdelay $0x5  }
0x4b: {  	[tilespmem:s21+$0x1C700] =	vst v0;
	v0 =	vld [tilespmem:s21+$0x18720]  }
0x4c: {  	v1 =	vld.idx.msk [tilespmem:v1+s4+$0x0], $0xffff;
	_ =	sdelay $0x5  }
0x4d: {  	[tilespmem:s21+$0x1C710] =	vst v1;
	v1 =	vld [tilespmem:s21+$0x18730]  }
0x4e: {  	v0 =	vld.idx.msk [tilespmem:v0+s4+$0x0], $0xffff;
	_ =	sdelay $0x5  }
0x4f: {  	[tilespmem:s21+$0x1C720] =	vst v0;
	v0 =	vld [tilespmem:s21+$0x18740]  }
0x50: {  	v1 =	vld.idx.msk [tilespmem:v1+s4+$0x0], $0xffff;
	_ =	sdelay $0x5  }
0x51: {  	[tilespmem:s21+$0x1C730] =	vst v1;
	v1 =	vld [tilespmem:s21+$0x18750]  }
0x52: {  	v0 =	vld.idx.msk [tilespmem:v0+s4+$0x0], $0xffff;
	_ =	sdelay $0x5  }
0x53: {  	[tilespmem:s21+$0x1C740] =	vst v0;
	v0 =	vld [tilespmem:s21+$0x18760]  }
0x54: {  	v1 =	vld.idx.msk [tilespmem:v1+s4+$0x0], $0xffff;
	_ =	sdelay $0x5  }
0x55: {  	[tilespmem:s21+$0x1C750] =	vst v1;
	v1 =	vld [tilespmem:s21+$0x18770]  }
0x56: {  	v0 =	vld.idx.msk [tilespmem:v0+s4+$0x0], $0xffff;
	_ =	sdelay $0x5  }
0x57: {  	[tilespmem:s21+$0x1C760] =	vst v0;
	v0 =	vld [tilespmem:s21+$0x18780]  }
0x58: {  	v1 =	vld.idx.msk [tilespmem:v1+s4+$0x0], $0xffff;
	_ =	sdelay $0x5  }
0x59: {  	[tilespmem:s21+$0x1C770] =	vst v1;
	v1 =	vld [tilespmem:s21+$0x18790]  }
0x5a: {  	v0 =	vld.idx.msk [tilespmem:v0+s4+$0x0], $0xffff;
	_ =	sdelay $0x5  }
0x5b: {  	[tilespmem:s21+$0x1C780] =	vst v0;
	v0 =	vld [tilespmem:s21+$0x187A0]  }
0x5c: {  	v1 =	vld.idx.msk [tilespmem:v1+s4+$0x0], $0xffff;
	_ =	sdelay $0x5  }
0x5d: {  	[tilespmem:s21+$0x1C790] =	vst v1;
	v1 =	vld [tilespmem:s21+$0x187B0]  }
0x5e: {  	v0 =	vld.idx.msk [tilespmem:v0+s4+$0x0], $0xffff;
	_ =	sdelay $0x5  }
0x5f: {  	[tilespmem:s21+$0x1C7A0] =	vst v0;
	v0 =	vld [tilespmem:s21+$0x187C0]  }
0x60: {  	v1 =	vld.idx.msk [tilespmem:v1+s4+$0x0], $0xffff;
	_ =	sdelay $0x5  }
0x61: {  	[tilespmem:s21+$0x1C7B0] =	vst v1;
	v1 =	vld [tilespmem:s21+$0x187D0]  }
0x62: {  	v0 =	vld.idx.msk [tilespmem:v0+s4+$0x0], $0xffff;
	_ =	sdelay $0x5  }
0x63: {  	[tilespmem:s21+$0x1C7C0] =	vst v0;
	v2 =	vld [tilespmem:s21+$0x187E0]  }
0x64: {  	v0 =	vld.idx.msk [tilespmem:v1+s4+$0x0], $0xffff;
	_ =	sdelay $0x5  }
0x65: {  	[tilespmem:s21+$0x1C7D0] =	vst v0;
	v0 =	vld [tilespmem:s21+$0x187F0]  }
0x66: {  	v1 =	vld.idx.msk [tilespmem:v2+s4+$0x0], $0xffff  }
.Ltmp2:
0x67: {  	(pc) =	sbr.rel @p1 .LBB2_3-.Ltmp2, $2  }
0x68: {  	_ =	sdelay $0x2  }
0x69: {  	s23 =	sshra.s32 s22, $0x2;
	s22 =	sadd.s32 $0x400, s22  }
0x6a: {  	_ =	sdelay $0x1  }
0x6b: {  	v2 =	vld [tilespmem:s23+$0x18700]  }
0x6c: {  	[tilespmem:s21+$0x1C7E0] =	vst v1  }
0x6d: {  	v0 =	vld.idx.msk [tilespmem:v0+s4+$0x0], $0xffff;
	_ =	sdelay $0x3  }
0x6e: {  	v1 =	vld [tilespmem:s23+$0x18710]  }
0x6f: {  	[tilespmem:s21+$0x1C7F0] =	vst v0  }
0x70: {  	v0 =	vld.idx.msk [tilespmem:v2+s4+$0x0], $0xffff;
	_ =	sdelay $0x4  }
0x71: {  	[tilespmem:s23+$0x1C700] =	vst v0;
	v0 =	vld [tilespmem:s23+$0x18720]  }
0x72: {  	v1 =	vld.idx.msk [tilespmem:v1+s4+$0x0], $0xffff;
	_ =	sdelay $0x4  }
0x73: {  	[tilespmem:s23+$0x1C710] =	vst v1;
	v1 =	vld [tilespmem:s23+$0x18730];
	_ =	sdelay $0x1  }
0x74: {  	v0 =	vld.idx.msk [tilespmem:v0+s4+$0x0], $0xffff;
	_ =	sdelay $0x4  }
0x75: {  	[tilespmem:s23+$0x1C720] =	vst v0;
	v0 =	vld [tilespmem:s23+$0x18740]  }
0x76: {  	v1 =	vld.idx.msk [tilespmem:v1+s4+$0x0], $0xffff;
	_ =	sdelay $0x4  }
0x77: {  	[tilespmem:s23+$0x1C730] =	vst v1;
	v1 =	vld [tilespmem:s23+$0x18750];
	_ =	sdelay $0x1  }
0x78: {  	v0 =	vld.idx.msk [tilespmem:v0+s4+$0x0], $0xffff;
	_ =	sdelay $0x4  }
0x79: {  	[tilespmem:s23+$0x1C740] =	vst v0;
	v0 =	vld [tilespmem:s23+$0x18760]  }
0x7a: {  	v1 =	vld.idx.msk [tilespmem:v1+s4+$0x0], $0xffff;
	_ =	sdelay $0x4  }
0x7b: {  	[tilespmem:s23+$0x1C750] =	vst v1;
	v1 =	vld [tilespmem:s23+$0x18770];
	_ =	sdelay $0x1  }
0x7c: {  	v0 =	vld.idx.msk [tilespmem:v0+s4+$0x0], $0xffff;
	_ =	sdelay $0x4  }
0x7d: {  	[tilespmem:s23+$0x1C760] =	vst v0;
	v0 =	vld [tilespmem:s23+$0x18780]  }
0x7e: {  	v1 =	vld.idx.msk [tilespmem:v1+s4+$0x0], $0xffff;
	_ =	sdelay $0x4  }
0x7f: {  	[tilespmem:s23+$0x1C770] =	vst v1;
	v1 =	vld [tilespmem:s23+$0x18790];
	_ =	sdelay $0x1  }
0x80: {  	v0 =	vld.idx.msk [tilespmem:v0+s4+$0x0], $0xffff;
	_ =	sdelay $0x4  }
0x81: {  	[tilespmem:s23+$0x1C780] =	vst v0;
	v0 =	vld [tilespmem:s23+$0x187A0]  }
0x82: {  	v1 =	vld.idx.msk [tilespmem:v1+s4+$0x0], $0xffff;
	_ =	sdelay $0x4  }
0x83: {  	[tilespmem:s23+$0x1C790] =	vst v1;
	v1 =	vld [tilespmem:s23+$0x187B0];
	_ =	sdelay $0x1  }
0x84: {  	v0 =	vld.idx.msk [tilespmem:v0+s4+$0x0], $0xffff;
	_ =	sdelay $0x4  }
0x85: {  	[tilespmem:s23+$0x1C7A0] =	vst v0;
	v0 =	vld [tilespmem:s23+$0x187C0]  }
0x86: {  	v1 =	vld.idx.msk [tilespmem:v1+s4+$0x0], $0xffff;
	_ =	sdelay $0x4  }
0x87: {  	[tilespmem:s23+$0x1C7B0] =	vst v1;
	v1 =	vld [tilespmem:s23+$0x187D0];
	_ =	sdelay $0x1  }
0x88: {  	v0 =	vld.idx.msk [tilespmem:v0+s4+$0x0], $0xffff;
	_ =	sdelay $0x4  }
0x89: {  	[tilespmem:s23+$0x1C7C0] =	vst v0;
	v0 =	vld [tilespmem:s23+$0x187E0]  }
0x8a: {  	v1 =	vld.idx.msk [tilespmem:v1+s4+$0x0], $0xffff;
	_ =	sdelay $0x4  }
0x8b: {  	[tilespmem:s23+$0x1C7D0] =	vst v1;
	v1 =	vld [tilespmem:s23+$0x187F0];
	_ =	sdelay $0x1  }
0x8c: {  	v0 =	vld.idx.msk [tilespmem:v0+s4+$0x0], $0xffff;
	_ =	sdelay $0x4  }
0x8d: {  	[tilespmem:s23+$0x1C7E0] =	vst v0  }
0x8e: {  	v0 =	vld.idx.msk [tilespmem:v1+s4+$0x0], $0xffff;
	_ =	sdelay $0x1  }
0x8f: {  	s19 =	sshll.u32 s19, $0x11  }
0x90: {  	s19 =	sor.u32 s20, s19  }
0x91: {  	s19 =	sshrl.u32 s19, $0x3  }
0x92: {  	s19 =	sadd.s32 s5, s19;
	[tilespmem:s23+$0x1C7F0] =	vst v0  }
0x93: {  	[hbm4b:s19+s11] =	stream.strided.scatter [tilespmem:s14], [sflag:$0x1], $0x2000, s12, s11, $0x38;
	[tilespmem:$0x1E700] =	vst v63  }
0x94: {  	_ =	swait.ge [sflag:s13], $0x2000  }
0x95: {  	[sflag:s13] =	ssyncset.done $0x0  }
0x96: {  	s20 =	simm.s32 $0x0;
	[sflag:s13] =	ssyncadd.s32 $0xFFFFE000  }
0x97: {  	v0 =	vld [tilespmem:s20+$0x1A700];
	_ =	sdelay $0x5  }
0x98: {  	v1 =	vld [tilespmem:s20+$0x1A710];
	_ =	sdelay $0x1  }
0x99: {  	v0 =	vld.idx.msk [tilespmem:v0+s4+$0x0], $0xffff;
	_ =	sdelay $0x4  }
0x9a: {  	[tilespmem:s20+$0x1C700] =	vst v0;
	v0 =	vld [tilespmem:s20+$0x1A720]  }
0x9b: {  	v1 =	vld.idx.msk [tilespmem:v1+s4+$0x0], $0xffff;
	_ =	sdelay $0x4  }
0x9c: {  	[tilespmem:s20+$0x1C710] =	vst v1;
	v1 =	vld [tilespmem:s20+$0x1A730];
	_ =	sdelay $0x1  }
0x9d: {  	v0 =	vld.idx.msk [tilespmem:v0+s4+$0x0], $0xffff;
	_ =	sdelay $0x4  }
0x9e: {  	[tilespmem:s20+$0x1C720] =	vst v0;
	v0 =	vld [tilespmem:s20+$0x1A740]  }
0x9f: {  	v1 =	vld.idx.msk [tilespmem:v1+s4+$0x0], $0xffff;
	_ =	sdelay $0x4  }
0xa0: {  	[tilespmem:s20+$0x1C730] =	vst v1;
	v1 =	vld [tilespmem:s20+$0x1A750];
	_ =	sdelay $0x1  }
0xa1: {  	v0 =	vld.idx.msk [tilespmem:v0+s4+$0x0], $0xffff;
	_ =	sdelay $0x4  }
0xa2: {  	[tilespmem:s20+$0x1C740] =	vst v0;
	v0 =	vld [tilespmem:s20+$0x1A760]  }
0xa3: {  	v1 =	vld.idx.msk [tilespmem:v1+s4+$0x0], $0xffff;
	_ =	sdelay $0x4  }
0xa4: {  	[tilespmem:s20+$0x1C750] =	vst v1;
	v1 =	vld [tilespmem:s20+$0x1A770];
	_ =	sdelay $0x1  }
0xa5: {  	v0 =	vld.idx.msk [tilespmem:v0+s4+$0x0], $0xffff;
	_ =	sdelay $0x4  }
0xa6: {  	[tilespmem:s20+$0x1C760] =	vst v0;
	v0 =	vld [tilespmem:s20+$0x1A780]  }
0xa7: {  	v1 =	vld.idx.msk [tilespmem:v1+s4+$0x0], $0xffff;
	_ =	sdelay $0x4  }
0xa8: {  	[tilespmem:s20+$0x1C770] =	vst v1;
	v1 =	vld [tilespmem:s20+$0x1A790];
	_ =	sdelay $0x1  }
0xa9: {  	v0 =	vld.idx.msk [tilespmem:v0+s4+$0x0], $0xffff;
	_ =	sdelay $0x4  }
0xaa: {  	[tilespmem:s20+$0x1C780] =	vst v0;
	v0 =	vld [tilespmem:s20+$0x1A7A0]  }
0xab: {  	v1 =	vld.idx.msk [tilespmem:v1+s4+$0x0], $0xffff;
	_ =	sdelay $0x4  }
0xac: {  	[tilespmem:s20+$0x1C790] =	vst v1;
	v1 =	vld [tilespmem:s20+$0x1A7B0];
	_ =	sdelay $0x1  }
0xad: {  	v0 =	vld.idx.msk [tilespmem:v0+s4+$0x0], $0xffff;
	_ =	sdelay $0x4  }
0xae: {  	[tilespmem:s20+$0x1C7A0] =	vst v0;
	v0 =	vld [tilespmem:s20+$0x1A7C0]  }
0xaf: {  	v1 =	vld.idx.msk [tilespmem:v1+s4+$0x0], $0xffff;
	_ =	sdelay $0x4  }
0xb0: {  	[tilespmem:s20+$0x1C7B0] =	vst v1;
	v1 =	vld [tilespmem:s20+$0x1A7D0];
	_ =	sdelay $0x1  }
0xb1: {  	v0 =	vld.idx.msk [tilespmem:v0+s4+$0x0], $0xffff;
	_ =	sdelay $0x4  }
0xb2: {  	v2 =	vld [tilespmem:s20+$0x1A7E0];
	[tilespmem:s20+$0x1C7C0] =	vst v0  }
0xb3: {  	v0 =	vld.idx.msk [tilespmem:v1+s4+$0x0], $0xffff;
	_ =	sdelay $0x4  }
0xb4: {  	[tilespmem:s20+$0x1C7D0] =	vst v0;
	v0 =	vld [tilespmem:s20+$0x1A7F0];
	_ =	sdelay $0x1  }
0xb5: {  	v1 =	vld.idx.msk [tilespmem:v2+s4+$0x0], $0xffff;
	_ =	sdelay $0x3  }
0xb6: {  	s22 =	simm.s32 $0x100;
	s21 =	simm.s32 $0x800  }
.LBB2_5:
0xb7: {  	p1 =	sne.s32 s21, $0x7C00;
	v2 =	vld [tilespmem:s22+$0x1A700];
	[tilespmem:s20+$0x1C7E0] =	vst v1  }
0xb8: {  	v0 =	vld.idx.msk [tilespmem:v0+s4+$0x0], $0xffff;
	_ =	sdelay $0x5  }
0xb9: {  	v1 =	vld [tilespmem:s22+$0x1A710];
	[tilespmem:s20+$0x1C7F0] =	vst v0;
	s20 =	smov.u32 s22  }
0xba: {  	v0 =	vld.idx.msk [tilespmem:v2+s4+$0x0], $0xffff;
	_ =	sdelay $0x5  }
0xbb: {  	[tilespmem:s20+$0x1C700] =	vst v0;
	v0 =	vld [tilespmem:s20+$0x1A720]  }
0xbc: {  	v1 =	vld.idx.msk [tilespmem:v1+s4+$0x0], $0xffff;
	_ =	sdelay $0x5  }
0xbd: {  	[tilespmem:s20+$0x1C710] =	vst v1;
	v1 =	vld [tilespmem:s20+$0x1A730]  }
0xbe: {  	v0 =	vld.idx.msk [tilespmem:v0+s4+$0x0], $0xffff;
	_ =	sdelay $0x5  }
0xbf: {  	[tilespmem:s20+$0x1C720] =	vst v0;
	v0 =	vld [tilespmem:s20+$0x1A740]  }
0xc0: {  	v1 =	vld.idx.msk [tilespmem:v1+s4+$0x0], $0xffff;
	_ =	sdelay $0x5  }
0xc1: {  	[tilespmem:s20+$0x1C730] =	vst v1;
	v1 =	vld [tilespmem:s20+$0x1A750]  }
0xc2: {  	v0 =	vld.idx.msk [tilespmem:v0+s4+$0x0], $0xffff;
	_ =	sdelay $0x5  }
0xc3: {  	[tilespmem:s20+$0x1C740] =	vst v0;
	v0 =	vld [tilespmem:s20+$0x1A760]  }
0xc4: {  	v1 =	vld.idx.msk [tilespmem:v1+s4+$0x0], $0xffff;
	_ =	sdelay $0x5  }
0xc5: {  	[tilespmem:s20+$0x1C750] =	vst v1;
	v1 =	vld [tilespmem:s20+$0x1A770]  }
0xc6: {  	v0 =	vld.idx.msk [tilespmem:v0+s4+$0x0], $0xffff;
	_ =	sdelay $0x5  }
0xc7: {  	[tilespmem:s20+$0x1C760] =	vst v0;
	v0 =	vld [tilespmem:s20+$0x1A780]  }
0xc8: {  	v1 =	vld.idx.msk [tilespmem:v1+s4+$0x0], $0xffff;
	_ =	sdelay $0x5  }
0xc9: {  	[tilespmem:s20+$0x1C770] =	vst v1;
	v1 =	vld [tilespmem:s20+$0x1A790]  }
0xca: {  	v0 =	vld.idx.msk [tilespmem:v0+s4+$0x0], $0xffff;
	_ =	sdelay $0x5  }
0xcb: {  	[tilespmem:s20+$0x1C780] =	vst v0;
	v0 =	vld [tilespmem:s20+$0x1A7A0]  }
0xcc: {  	v1 =	vld.idx.msk [tilespmem:v1+s4+$0x0], $0xffff;
	_ =	sdelay $0x5  }
0xcd: {  	[tilespmem:s20+$0x1C790] =	vst v1;
	v1 =	vld [tilespmem:s20+$0x1A7B0]  }
0xce: {  	v0 =	vld.idx.msk [tilespmem:v0+s4+$0x0], $0xffff;
	_ =	sdelay $0x5  }
0xcf: {  	[tilespmem:s20+$0x1C7A0] =	vst v0;
	v0 =	vld [tilespmem:s20+$0x1A7C0]  }
0xd0: {  	v1 =	vld.idx.msk [tilespmem:v1+s4+$0x0], $0xffff;
	_ =	sdelay $0x5  }
0xd1: {  	[tilespmem:s20+$0x1C7B0] =	vst v1;
	v1 =	vld [tilespmem:s20+$0x1A7D0]  }
0xd2: {  	v0 =	vld.idx.msk [tilespmem:v0+s4+$0x0], $0xffff;
	_ =	sdelay $0x5  }
0xd3: {  	[tilespmem:s20+$0x1C7C0] =	vst v0;
	v2 =	vld [tilespmem:s20+$0x1A7E0]  }
0xd4: {  	v0 =	vld.idx.msk [tilespmem:v1+s4+$0x0], $0xffff;
	_ =	sdelay $0x5  }
0xd5: {  	[tilespmem:s20+$0x1C7D0] =	vst v0;
	v0 =	vld [tilespmem:s20+$0x1A7F0]  }
0xd6: {  	v1 =	vld.idx.msk [tilespmem:v2+s4+$0x0], $0xffff  }
.Ltmp3:
0xd7: {  	(pc) =	sbr.rel @p1 .LBB2_5-.Ltmp3, $2  }
0xd8: {  	_ =	sdelay $0x2  }
0xd9: {  	s22 =	sshra.s32 s21, $0x2;
	s21 =	sadd.s32 $0x400, s21  }
0xda: {  	_ =	sdelay $0x1  }
0xdb: {  	v2 =	vld [tilespmem:s22+$0x1A700]  }
0xdc: {  	[tilespmem:s20+$0x1C7E0] =	vst v1  }
0xdd: {  	v0 =	vld.idx.msk [tilespmem:v0+s4+$0x0], $0xffff;
	_ =	sdelay $0x3  }
0xde: {  	v1 =	vld [tilespmem:s22+$0x1A710]  }
0xdf: {  	[tilespmem:s20+$0x1C7F0] =	vst v0  }
0xe0: {  	v0 =	vld.idx.msk [tilespmem:v2+s4+$0x0], $0xffff;
	_ =	sdelay $0x3  }
0xe1: {  	v50 =	vld [tilespmem:s22+$0x1A720]  }
0xe2: {  	[tilespmem:s22+$0x1C700] =	vst v0  }
0xe3: {  	v1 =	vld.idx.msk [tilespmem:v1+s4+$0x0], $0xffff;
	_ =	sdelay $0x3  }
0xe4: {  	v51 =	vld [tilespmem:s22+$0x1A730]  }
0xe5: {  	[tilespmem:s22+$0x1C710] =	vst v1  }
0xe6: {  	v0 =	vld.idx.msk [tilespmem:v50+s4+$0x0], $0xffff;
	_ =	sdelay $0x3  }
0xe7: {  	v52 =	vld [tilespmem:s22+$0x1A740]  }
0xe8: {  	[tilespmem:s22+$0x1C720] =	vst v0  }
0xe9: {  	v1 =	vld.idx.msk [tilespmem:v51+s4+$0x0], $0xffff;
	_ =	sdelay $0x3  }
0xea: {  	v53 =	vld [tilespmem:s22+$0x1A750]  }
0xeb: {  	[tilespmem:s22+$0x1C730] =	vst v1  }
0xec: {  	v0 =	vld.idx.msk [tilespmem:v52+s4+$0x0], $0xffff;
	_ =	sdelay $0x3  }
0xed: {  	v54 =	vld [tilespmem:s22+$0x1A760]  }
0xee: {  	[tilespmem:s22+$0x1C740] =	vst v0  }
0xef: {  	v1 =	vld.idx.msk [tilespmem:v53+s4+$0x0], $0xffff;
	_ =	sdelay $0x3  }
0xf0: {  	v55 =	vld [tilespmem:s22+$0x1A770]  }
0xf1: {  	[tilespmem:s22+$0x1C750] =	vst v1  }
0xf2: {  	v0 =	vld.idx.msk [tilespmem:v54+s4+$0x0], $0xffff;
	_ =	sdelay $0x3  }
0xf3: {  	v56 =	vld [tilespmem:s22+$0x1A780]  }
0xf4: {  	[tilespmem:s22+$0x1C760] =	vst v0  }
0xf5: {  	v1 =	vld.idx.msk [tilespmem:v55+s4+$0x0], $0xffff;
	_ =	sdelay $0x3  }
0xf6: {  	v57 =	vld [tilespmem:s22+$0x1A790]  }
0xf7: {  	[tilespmem:s22+$0x1C770] =	vst v1  }
0xf8: {  	v0 =	vld.idx.msk [tilespmem:v56+s4+$0x0], $0xffff;
	_ =	sdelay $0x3  }
0xf9: {  	v58 =	vld [tilespmem:s22+$0x1A7A0]  }
0xfa: {  	[tilespmem:s22+$0x1C780] =	vst v0  }
0xfb: {  	v1 =	vld.idx.msk [tilespmem:v57+s4+$0x0], $0xffff;
	_ =	sdelay $0x3  }
0xfc: {  	v59 =	vld [tilespmem:s22+$0x1A7B0]  }
0xfd: {  	[tilespmem:s22+$0x1C790] =	vst v1  }
0xfe: {  	v0 =	vld.idx.msk [tilespmem:v58+s4+$0x0], $0xffff;
	_ =	sdelay $0x3  }
0xff: {  	v60 =	vld [tilespmem:s22+$0x1A7C0]  }
0x100: {  	[tilespmem:s22+$0x1C7A0] =	vst v0  }
0x101: {  	v1 =	vld.idx.msk [tilespmem:v59+s4+$0x0], $0xffff;
	_ =	sdelay $0x3  }
0x102: {  	v61 =	vld [tilespmem:s22+$0x1A7D0]  }
0x103: {  	[tilespmem:s22+$0x1C7B0] =	vst v1  }
0x104: {  	v0 =	vld.idx.msk [tilespmem:v60+s4+$0x0], $0xffff;
	_ =	sdelay $0x3  }
0x105: {  	v62 =	vld [tilespmem:s22+$0x1A7E0]  }
0x106: {  	[tilespmem:s22+$0x1C7C0] =	vst v0  }
0x107: {  	v1 =	vld.idx.msk [tilespmem:v61+s4+$0x0], $0xffff;
	_ =	sdelay $0x3  }
0x108: {  	v63 =	vld [tilespmem:s22+$0x1A7F0]  }
0x109: {  	[tilespmem:s22+$0x1C7D0] =	vst v1  }
0x10a: {  	v0 =	vld.idx.msk [tilespmem:v62+s4+$0x0], $0xffff;
	_ =	sdelay $0x4  }
0x10b: {  	[tilespmem:s22+$0x1C7E0] =	vst v0  }
0x10c: {  	v0 =	vld.idx.msk [tilespmem:v63+s4+$0x0], $0xffff;
	_ =	sdelay $0x2  }
0x10d: {  	s17 =	sadd.s32 $0x1, s17  }
0x10e: {  	p1 =	sne.s32 s17, $0x1A  }
.Ltmp4:
0x10f: {  	s19 =	sadd.s32 $0x2000, s19;
	[tilespmem:s22+$0x1C7F0] =	vst v0;
	(pc) =	sbr.rel @p1 .LBB2_2-.Ltmp4, $4  }
0x110: {  	[hbm4b:s19+s11] =	stream.strided.scatter [tilespmem:s14], [sflag:$0x1], $0x2000, s12, s11, $0x38;
	[tilespmem:$0x1E700] =	vst v63  }
0x111: {  	_ =	swait.ge [sflag:s13], $0x2000  }
0x112: {  	[sflag:s13] =	ssyncset.done $0x0  }
0x113: {  	[sflag:s13] =	ssyncadd.s32 $0xFFFFE000  }
.Ltmp5:
0x114: {  	(pc) =	sbr.rel @p0 .LBB2_13-.Ltmp5, $1  }
0x115: {  	_ =	sdelay $0x3  }
0x116: {  	[tilespmem:s15], [sflag:$0x1] =	stream.strided.gather [hbm4b:s7+s11], $0x4000, s12, s11, $0x38;
	[tilespmem:$0x1E700] =	vst v63  }
0x117: {  	_ =	swait.ge [sflag:s13], $0x4000  }
0x118: {  	[sflag:s13] =	ssyncset.done $0x0  }
0x119: {  	s17 =	simm.s32 $0x0;
	[sflag:s13] =	ssyncadd.s32 $0xFFFFC000  }
0x11a: {  	[tilespmem:s17], [sflag:$0x1] =	stream.strided.gather [hbm4b:s8+s11], $0x18700, s12, s11, $0x38;
	[tilespmem:$0x1E700] =	vst v63  }
0x11b: {  	_ =	swait.ge [sflag:s13], $0x18700  }
0x11c: {  	[sflag:s13] =	ssyncset.done $0x0  }
0x11d: {  	s17 =	simm.s32 $0x0;
	[sflag:s13] =	ssyncadd.s32 $0xFFFE7900  }
0x11e: {  	v0 =	vld [tilespmem:s17+$0x18700];
	_ =	sdelay $0x5  }
0x11f: {  	v1 =	vld [tilespmem:s17+$0x18710];
	_ =	sdelay $0x1  }
0x120: {  	v0 =	vld.idx.msk [tilespmem:v0+s4+$0x0], $0xffff;
	_ =	sdelay $0x4  }
0x121: {  	[tilespmem:s17+$0x1C700] =	vst v0;
	v0 =	vld [tilespmem:s17+$0x18720]  }
0x122: {  	v1 =	vld.idx.msk [tilespmem:v1+s4+$0x0], $0xffff;
	_ =	sdelay $0x4  }
0x123: {  	[tilespmem:s17+$0x1C710] =	vst v1;
	v1 =	vld [tilespmem:s17+$0x18730];
	_ =	sdelay $0x1  }
0x124: {  	v0 =	vld.idx.msk [tilespmem:v0+s4+$0x0], $0xffff;
	_ =	sdelay $0x4  }
0x125: {  	[tilespmem:s17+$0x1C720] =	vst v0;
	v0 =	vld [tilespmem:s17+$0x18740]  }
0x126: {  	v1 =	vld.idx.msk [tilespmem:v1+s4+$0x0], $0xffff;
	_ =	sdelay $0x4  }
0x127: {  	[tilespmem:s17+$0x1C730] =	vst v1;
	v1 =	vld [tilespmem:s17+$0x18750];
	_ =	sdelay $0x1  }
0x128: {  	v0 =	vld.idx.msk [tilespmem:v0+s4+$0x0], $0xffff;
	_ =	sdelay $0x4  }
0x129: {  	[tilespmem:s17+$0x1C740] =	vst v0;
	v0 =	vld [tilespmem:s17+$0x18760]  }
0x12a: {  	v1 =	vld.idx.msk [tilespmem:v1+s4+$0x0], $0xffff;
	_ =	sdelay $0x4  }
0x12b: {  	[tilespmem:s17+$0x1C750] =	vst v1;
	v1 =	vld [tilespmem:s17+$0x18770];
	_ =	sdelay $0x1  }
0x12c: {  	v0 =	vld.idx.msk [tilespmem:v0+s4+$0x0], $0xffff;
	_ =	sdelay $0x4  }
0x12d: {  	[tilespmem:s17+$0x1C760] =	vst v0;
	v0 =	vld [tilespmem:s17+$0x18780]  }
0x12e: {  	v1 =	vld.idx.msk [tilespmem:v1+s4+$0x0], $0xffff;
	_ =	sdelay $0x4  }
0x12f: {  	[tilespmem:s17+$0x1C770] =	vst v1;
	v1 =	vld [tilespmem:s17+$0x18790];
	_ =	sdelay $0x1  }
0x130: {  	v0 =	vld.idx.msk [tilespmem:v0+s4+$0x0], $0xffff;
	_ =	sdelay $0x4  }
0x131: {  	[tilespmem:s17+$0x1C780] =	vst v0;
	v0 =	vld [tilespmem:s17+$0x187A0]  }
0x132: {  	v1 =	vld.idx.msk [tilespmem:v1+s4+$0x0], $0xffff;
	_ =	sdelay $0x4  }
0x133: {  	[tilespmem:s17+$0x1C790] =	vst v1;
	v1 =	vld [tilespmem:s17+$0x187B0];
	_ =	sdelay $0x1  }
0x134: {  	v0 =	vld.idx.msk [tilespmem:v0+s4+$0x0], $0xffff;
	_ =	sdelay $0x4  }
0x135: {  	[tilespmem:s17+$0x1C7A0] =	vst v0;
	v0 =	vld [tilespmem:s17+$0x187C0]  }
0x136: {  	v1 =	vld.idx.msk [tilespmem:v1+s4+$0x0], $0xffff;
	_ =	sdelay $0x4  }
0x137: {  	[tilespmem:s17+$0x1C7B0] =	vst v1;
	v1 =	vld [tilespmem:s17+$0x187D0];
	_ =	sdelay $0x1  }
0x138: {  	v0 =	vld.idx.msk [tilespmem:v0+s4+$0x0], $0xffff;
	_ =	sdelay $0x4  }
0x139: {  	v2 =	vld [tilespmem:s17+$0x187E0];
	[tilespmem:s17+$0x1C7C0] =	vst v0  }
0x13a: {  	v0 =	vld.idx.msk [tilespmem:v1+s4+$0x0], $0xffff;
	_ =	sdelay $0x4  }
0x13b: {  	[tilespmem:s17+$0x1C7D0] =	vst v0;
	v0 =	vld [tilespmem:s17+$0x187F0];
	_ =	sdelay $0x1  }
0x13c: {  	v1 =	vld.idx.msk [tilespmem:v2+s4+$0x0], $0xffff;
	_ =	sdelay $0x3  }
0x13d: {  	s19 =	simm.s32 $0x100;
	s18 =	simm.s32 $0x800  }
.LBB2_9:
0x13e: {  	p1 =	sne.s32 s18, $0x7C00;
	v2 =	vld [tilespmem:s19+$0x18700];
	[tilespmem:s17+$0x1C7E0] =	vst v1  }
0x13f: {  	v0 =	vld.idx.msk [tilespmem:v0+s4+$0x0], $0xffff;
	_ =	sdelay $0x5  }
0x140: {  	v1 =	vld [tilespmem:s19+$0x18710];
	[tilespmem:s17+$0x1C7F0] =	vst v0;
	s17 =	smov.u32 s19  }
0x141: {  	v0 =	vld.idx.msk [tilespmem:v2+s4+$0x0], $0xffff;
	_ =	sdelay $0x5  }
0x142: {  	[tilespmem:s17+$0x1C700] =	vst v0;
	v0 =	vld [tilespmem:s17+$0x18720]  }
0x143: {  	v1 =	vld.idx.msk [tilespmem:v1+s4+$0x0], $0xffff;
	_ =	sdelay $0x5  }
0x144: {  	[tilespmem:s17+$0x1C710] =	vst v1;
	v1 =	vld [tilespmem:s17+$0x18730]  }
0x145: {  	v0 =	vld.idx.msk [tilespmem:v0+s4+$0x0], $0xffff;
	_ =	sdelay $0x5  }
0x146: {  	[tilespmem:s17+$0x1C720] =	vst v0;
	v0 =	vld [tilespmem:s17+$0x18740]  }
0x147: {  	v1 =	vld.idx.msk [tilespmem:v1+s4+$0x0], $0xffff;
	_ =	sdelay $0x5  }
0x148: {  	[tilespmem:s17+$0x1C730] =	vst v1;
	v1 =	vld [tilespmem:s17+$0x18750]  }
0x149: {  	v0 =	vld.idx.msk [tilespmem:v0+s4+$0x0], $0xffff;
	_ =	sdelay $0x5  }
0x14a: {  	[tilespmem:s17+$0x1C740] =	vst v0;
	v0 =	vld [tilespmem:s17+$0x18760]  }
0x14b: {  	v1 =	vld.idx.msk [tilespmem:v1+s4+$0x0], $0xffff;
	_ =	sdelay $0x5  }
0x14c: {  	[tilespmem:s17+$0x1C750] =	vst v1;
	v1 =	vld [tilespmem:s17+$0x18770]  }
0x14d: {  	v0 =	vld.idx.msk [tilespmem:v0+s4+$0x0], $0xffff;
	_ =	sdelay $0x5  }
0x14e: {  	[tilespmem:s17+$0x1C760] =	vst v0;
	v0 =	vld [tilespmem:s17+$0x18780]  }
0x14f: {  	v1 =	vld.idx.msk [tilespmem:v1+s4+$0x0], $0xffff;
	_ =	sdelay $0x5  }
0x150: {  	[tilespmem:s17+$0x1C770] =	vst v1;
	v1 =	vld [tilespmem:s17+$0x18790]  }
0x151: {  	v0 =	vld.idx.msk [tilespmem:v0+s4+$0x0], $0xffff;
	_ =	sdelay $0x5  }
0x152: {  	[tilespmem:s17+$0x1C780] =	vst v0;
	v0 =	vld [tilespmem:s17+$0x187A0]  }
0x153: {  	v1 =	vld.idx.msk [tilespmem:v1+s4+$0x0], $0xffff;
	_ =	sdelay $0x5  }
0x154: {  	[tilespmem:s17+$0x1C790] =	vst v1;
	v1 =	vld [tilespmem:s17+$0x187B0]  }
0x155: {  	v0 =	vld.idx.msk [tilespmem:v0+s4+$0x0], $0xffff;
	_ =	sdelay $0x5  }
0x156: {  	[tilespmem:s17+$0x1C7A0] =	vst v0;
	v0 =	vld [tilespmem:s17+$0x187C0]  }
0x157: {  	v1 =	vld.idx.msk [tilespmem:v1+s4+$0x0], $0xffff;
	_ =	sdelay $0x5  }
0x158: {  	[tilespmem:s17+$0x1C7B0] =	vst v1;
	v1 =	vld [tilespmem:s17+$0x187D0]  }
0x159: {  	v0 =	vld.idx.msk [tilespmem:v0+s4+$0x0], $0xffff;
	_ =	sdelay $0x5  }
0x15a: {  	[tilespmem:s17+$0x1C7C0] =	vst v0;
	v2 =	vld [tilespmem:s17+$0x187E0]  }
0x15b: {  	v0 =	vld.idx.msk [tilespmem:v1+s4+$0x0], $0xffff;
	_ =	sdelay $0x5  }
0x15c: {  	[tilespmem:s17+$0x1C7D0] =	vst v0;
	v0 =	vld [tilespmem:s17+$0x187F0]  }
0x15d: {  	v1 =	vld.idx.msk [tilespmem:v2+s4+$0x0], $0xffff  }
.Ltmp6:
0x15e: {  	(pc) =	sbr.rel @p1 .LBB2_9-.Ltmp6, $2  }
0x15f: {  	_ =	sdelay $0x2  }
0x160: {  	s19 =	sshra.s32 s18, $0x2;
	s18 =	sadd.s32 $0x400, s18  }
0x161: {  	_ =	sdelay $0x1  }
0x162: {  	v2 =	vld [tilespmem:s19+$0x18700]  }
0x163: {  	[tilespmem:s17+$0x1C7E0] =	vst v1  }
0x164: {  	v0 =	vld.idx.msk [tilespmem:v0+s4+$0x0], $0xffff;
	_ =	sdelay $0x3  }
0x165: {  	v1 =	vld [tilespmem:s19+$0x18710]  }
0x166: {  	[tilespmem:s17+$0x1C7F0] =	vst v0  }
0x167: {  	v0 =	vld.idx.msk [tilespmem:v2+s4+$0x0], $0xffff;
	_ =	sdelay $0x4  }
0x168: {  	[tilespmem:s19+$0x1C700] =	vst v0;
	v0 =	vld [tilespmem:s19+$0x18720]  }
0x169: {  	v1 =	vld.idx.msk [tilespmem:v1+s4+$0x0], $0xffff;
	_ =	sdelay $0x4  }
0x16a: {  	[tilespmem:s19+$0x1C710] =	vst v1;
	v1 =	vld [tilespmem:s19+$0x18730];
	_ =	sdelay $0x1  }
0x16b: {  	v0 =	vld.idx.msk [tilespmem:v0+s4+$0x0], $0xffff;
	_ =	sdelay $0x4  }
0x16c: {  	[tilespmem:s19+$0x1C720] =	vst v0;
	v0 =	vld [tilespmem:s19+$0x18740]  }
0x16d: {  	v1 =	vld.idx.msk [tilespmem:v1+s4+$0x0], $0xffff;
	_ =	sdelay $0x4  }
0x16e: {  	[tilespmem:s19+$0x1C730] =	vst v1;
	v1 =	vld [tilespmem:s19+$0x18750];
	_ =	sdelay $0x1  }
0x16f: {  	v0 =	vld.idx.msk [tilespmem:v0+s4+$0x0], $0xffff;
	_ =	sdelay $0x4  }
0x170: {  	[tilespmem:s19+$0x1C740] =	vst v0;
	v0 =	vld [tilespmem:s19+$0x18760]  }
0x171: {  	v1 =	vld.idx.msk [tilespmem:v1+s4+$0x0], $0xffff;
	_ =	sdelay $0x4  }
0x172: {  	[tilespmem:s19+$0x1C750] =	vst v1;
	v1 =	vld [tilespmem:s19+$0x18770];
	_ =	sdelay $0x1  }
0x173: {  	v0 =	vld.idx.msk [tilespmem:v0+s4+$0x0], $0xffff;
	_ =	sdelay $0x4  }
0x174: {  	[tilespmem:s19+$0x1C760] =	vst v0;
	v0 =	vld [tilespmem:s19+$0x18780]  }
0x175: {  	v1 =	vld.idx.msk [tilespmem:v1+s4+$0x0], $0xffff;
	_ =	sdelay $0x4  }
0x176: {  	[tilespmem:s19+$0x1C770] =	vst v1;
	v1 =	vld [tilespmem:s19+$0x18790];
	_ =	sdelay $0x1  }
0x177: {  	v0 =	vld.idx.msk [tilespmem:v0+s4+$0x0], $0xffff;
	_ =	sdelay $0x4  }
0x178: {  	[tilespmem:s19+$0x1C780] =	vst v0;
	v0 =	vld [tilespmem:s19+$0x187A0]  }
0x179: {  	v1 =	vld.idx.msk [tilespmem:v1+s4+$0x0], $0xffff;
	_ =	sdelay $0x4  }
0x17a: {  	[tilespmem:s19+$0x1C790] =	vst v1;
	v1 =	vld [tilespmem:s19+$0x187B0];
	_ =	sdelay $0x1  }
0x17b: {  	v0 =	vld.idx.msk [tilespmem:v0+s4+$0x0], $0xffff;
	_ =	sdelay $0x4  }
0x17c: {  	[tilespmem:s19+$0x1C7A0] =	vst v0;
	v0 =	vld [tilespmem:s19+$0x187C0]  }
0x17d: {  	v1 =	vld.idx.msk [tilespmem:v1+s4+$0x0], $0xffff;
	_ =	sdelay $0x4  }
0x17e: {  	[tilespmem:s19+$0x1C7B0] =	vst v1;
	v1 =	vld [tilespmem:s19+$0x187D0];
	_ =	sdelay $0x1  }
0x17f: {  	v0 =	vld.idx.msk [tilespmem:v0+s4+$0x0], $0xffff;
	_ =	sdelay $0x4  }
0x180: {  	[tilespmem:s19+$0x1C7C0] =	vst v0;
	v0 =	vld [tilespmem:s19+$0x187E0]  }
0x181: {  	v1 =	vld.idx.msk [tilespmem:v1+s4+$0x0], $0xffff;
	_ =	sdelay $0x4  }
0x182: {  	[tilespmem:s19+$0x1C7D0] =	vst v1;
	v1 =	vld [tilespmem:s19+$0x187F0];
	_ =	sdelay $0x1  }
0x183: {  	v0 =	vld.idx.msk [tilespmem:v0+s4+$0x0], $0xffff;
	_ =	sdelay $0x4  }
0x184: {  	[tilespmem:s19+$0x1C7E0] =	vst v0  }
0x185: {  	v0 =	vld.idx.msk [tilespmem:v1+s4+$0x0], $0xffff;
	_ =	sdelay $0x4  }
0x186: {  	[tilespmem:s19+$0x1C7F0] =	vst v0  }
0x187: {  	[hbm4b:s9+s11] =	stream.strided.scatter [tilespmem:s14], [sflag:$0x1], $0x2000, s12, s11, $0x38;
	[tilespmem:$0x1E700] =	vst v63  }
0x188: {  	_ =	swait.ge [sflag:s13], $0x2000  }
0x189: {  	[sflag:s13] =	ssyncset.done $0x0  }
0x18a: {  	s17 =	simm.s32 $0x0;
	[sflag:s13] =	ssyncadd.s32 $0xFFFFE000  }
0x18b: {  	v0 =	vld [tilespmem:s17+$0x1A700];
	_ =	sdelay $0x5  }
0x18c: {  	v1 =	vld [tilespmem:s17+$0x1A710];
	_ =	sdelay $0x1  }
0x18d: {  	v0 =	vld.idx.msk [tilespmem:v0+s4+$0x0], $0xffff;
	_ =	sdelay $0x4  }
0x18e: {  	[tilespmem:s17+$0x1C700] =	vst v0;
	v0 =	vld [tilespmem:s17+$0x1A720]  }
0x18f: {  	v1 =	vld.idx.msk [tilespmem:v1+s4+$0x0], $0xffff;
	_ =	sdelay $0x4  }
0x190: {  	[tilespmem:s17+$0x1C710] =	vst v1;
	v1 =	vld [tilespmem:s17+$0x1A730];
	_ =	sdelay $0x1  }
0x191: {  	v0 =	vld.idx.msk [tilespmem:v0+s4+$0x0], $0xffff;
	_ =	sdelay $0x4  }
0x192: {  	[tilespmem:s17+$0x1C720] =	vst v0;
	v0 =	vld [tilespmem:s17+$0x1A740]  }
0x193: {  	v1 =	vld.idx.msk [tilespmem:v1+s4+$0x0], $0xffff;
	_ =	sdelay $0x4  }
0x194: {  	[tilespmem:s17+$0x1C730] =	vst v1;
	v1 =	vld [tilespmem:s17+$0x1A750];
	_ =	sdelay $0x1  }
0x195: {  	v0 =	vld.idx.msk [tilespmem:v0+s4+$0x0], $0xffff;
	_ =	sdelay $0x4  }
0x196: {  	[tilespmem:s17+$0x1C740] =	vst v0;
	v0 =	vld [tilespmem:s17+$0x1A760]  }
0x197: {  	v1 =	vld.idx.msk [tilespmem:v1+s4+$0x0], $0xffff;
	_ =	sdelay $0x4  }
0x198: {  	[tilespmem:s17+$0x1C750] =	vst v1;
	v1 =	vld [tilespmem:s17+$0x1A770];
	_ =	sdelay $0x1  }
0x199: {  	v0 =	vld.idx.msk [tilespmem:v0+s4+$0x0], $0xffff;
	_ =	sdelay $0x4  }
0x19a: {  	[tilespmem:s17+$0x1C760] =	vst v0;
	v0 =	vld [tilespmem:s17+$0x1A780]  }
0x19b: {  	v1 =	vld.idx.msk [tilespmem:v1+s4+$0x0], $0xffff;
	_ =	sdelay $0x4  }
0x19c: {  	[tilespmem:s17+$0x1C770] =	vst v1;
	v1 =	vld [tilespmem:s17+$0x1A790];
	_ =	sdelay $0x1  }
0x19d: {  	v0 =	vld.idx.msk [tilespmem:v0+s4+$0x0], $0xffff;
	_ =	sdelay $0x4  }
0x19e: {  	[tilespmem:s17+$0x1C780] =	vst v0;
	v0 =	vld [tilespmem:s17+$0x1A7A0]  }
0x19f: {  	v1 =	vld.idx.msk [tilespmem:v1+s4+$0x0], $0xffff;
	_ =	sdelay $0x4  }
0x1a0: {  	[tilespmem:s17+$0x1C790] =	vst v1;
	v1 =	vld [tilespmem:s17+$0x1A7B0];
	_ =	sdelay $0x1  }
0x1a1: {  	v0 =	vld.idx.msk [tilespmem:v0+s4+$0x0], $0xffff;
	_ =	sdelay $0x4  }
0x1a2: {  	[tilespmem:s17+$0x1C7A0] =	vst v0;
	v0 =	vld [tilespmem:s17+$0x1A7C0]  }
0x1a3: {  	v1 =	vld.idx.msk [tilespmem:v1+s4+$0x0], $0xffff;
	_ =	sdelay $0x4  }
0x1a4: {  	[tilespmem:s17+$0x1C7B0] =	vst v1;
	v1 =	vld [tilespmem:s17+$0x1A7D0];
	_ =	sdelay $0x1  }
0x1a5: {  	v0 =	vld.idx.msk [tilespmem:v0+s4+$0x0], $0xffff;
	_ =	sdelay $0x4  }
0x1a6: {  	v2 =	vld [tilespmem:s17+$0x1A7E0];
	[tilespmem:s17+$0x1C7C0] =	vst v0  }
0x1a7: {  	v0 =	vld.idx.msk [tilespmem:v1+s4+$0x0], $0xffff;
	_ =	sdelay $0x4  }
0x1a8: {  	[tilespmem:s17+$0x1C7D0] =	vst v0;
	v0 =	vld [tilespmem:s17+$0x1A7F0];
	_ =	sdelay $0x1  }
0x1a9: {  	v1 =	vld.idx.msk [tilespmem:v2+s4+$0x0], $0xffff;
	_ =	sdelay $0x3  }
0x1aa: {  	s18 =	simm.s32 $0x800;
	s19 =	simm.s32 $0x100  }
.LBB2_11:
0x1ab: {  	p1 =	sne.s32 s18, $0x7C00;
	v2 =	vld [tilespmem:s19+$0x1A700];
	[tilespmem:s17+$0x1C7E0] =	vst v1  }
0x1ac: {  	v0 =	vld.idx.msk [tilespmem:v0+s4+$0x0], $0xffff;
	_ =	sdelay $0x5  }
0x1ad: {  	v1 =	vld [tilespmem:s19+$0x1A710];
	[tilespmem:s17+$0x1C7F0] =	vst v0;
	s17 =	smov.u32 s19  }
0x1ae: {  	v0 =	vld.idx.msk [tilespmem:v2+s4+$0x0], $0xffff;
	_ =	sdelay $0x5  }
0x1af: {  	[tilespmem:s17+$0x1C700] =	vst v0;
	v0 =	vld [tilespmem:s17+$0x1A720]  }
0x1b0: {  	v1 =	vld.idx.msk [tilespmem:v1+s4+$0x0], $0xffff;
	_ =	sdelay $0x5  }
0x1b1: {  	[tilespmem:s17+$0x1C710] =	vst v1;
	v1 =	vld [tilespmem:s17+$0x1A730]  }
0x1b2: {  	v0 =	vld.idx.msk [tilespmem:v0+s4+$0x0], $0xffff;
	_ =	sdelay $0x5  }
0x1b3: {  	[tilespmem:s17+$0x1C720] =	vst v0;
	v0 =	vld [tilespmem:s17+$0x1A740]  }
0x1b4: {  	v1 =	vld.idx.msk [tilespmem:v1+s4+$0x0], $0xffff;
	_ =	sdelay $0x5  }
0x1b5: {  	[tilespmem:s17+$0x1C730] =	vst v1;
	v1 =	vld [tilespmem:s17+$0x1A750]  }
0x1b6: {  	v0 =	vld.idx.msk [tilespmem:v0+s4+$0x0], $0xffff;
	_ =	sdelay $0x5  }
0x1b7: {  	[tilespmem:s17+$0x1C740] =	vst v0;
	v0 =	vld [tilespmem:s17+$0x1A760]  }
0x1b8: {  	v1 =	vld.idx.msk [tilespmem:v1+s4+$0x0], $0xffff;
	_ =	sdelay $0x5  }
0x1b9: {  	[tilespmem:s17+$0x1C750] =	vst v1;
	v1 =	vld [tilespmem:s17+$0x1A770]  }
0x1ba: {  	v0 =	vld.idx.msk [tilespmem:v0+s4+$0x0], $0xffff;
	_ =	sdelay $0x5  }
0x1bb: {  	[tilespmem:s17+$0x1C760] =	vst v0;
	v0 =	vld [tilespmem:s17+$0x1A780]  }
0x1bc: {  	v1 =	vld.idx.msk [tilespmem:v1+s4+$0x0], $0xffff;
	_ =	sdelay $0x5  }
0x1bd: {  	[tilespmem:s17+$0x1C770] =	vst v1;
	v1 =	vld [tilespmem:s17+$0x1A790]  }
0x1be: {  	v0 =	vld.idx.msk [tilespmem:v0+s4+$0x0], $0xffff;
	_ =	sdelay $0x5  }
0x1bf: {  	[tilespmem:s17+$0x1C780] =	vst v0;
	v0 =	vld [tilespmem:s17+$0x1A7A0]  }
0x1c0: {  	v1 =	vld.idx.msk [tilespmem:v1+s4+$0x0], $0xffff;
	_ =	sdelay $0x5  }
0x1c1: {  	[tilespmem:s17+$0x1C790] =	vst v1;
	v1 =	vld [tilespmem:s17+$0x1A7B0]  }
0x1c2: {  	v0 =	vld.idx.msk [tilespmem:v0+s4+$0x0], $0xffff;
	_ =	sdelay $0x5  }
0x1c3: {  	[tilespmem:s17+$0x1C7A0] =	vst v0;
	v0 =	vld [tilespmem:s17+$0x1A7C0]  }
0x1c4: {  	v1 =	vld.idx.msk [tilespmem:v1+s4+$0x0], $0xffff;
	_ =	sdelay $0x5  }
0x1c5: {  	[tilespmem:s17+$0x1C7B0] =	vst v1;
	v1 =	vld [tilespmem:s17+$0x1A7D0]  }
0x1c6: {  	v0 =	vld.idx.msk [tilespmem:v0+s4+$0x0], $0xffff;
	_ =	sdelay $0x5  }
0x1c7: {  	[tilespmem:s17+$0x1C7C0] =	vst v0;
	v2 =	vld [tilespmem:s17+$0x1A7E0]  }
0x1c8: {  	v0 =	vld.idx.msk [tilespmem:v1+s4+$0x0], $0xffff;
	_ =	sdelay $0x5  }
0x1c9: {  	[tilespmem:s17+$0x1C7D0] =	vst v0;
	v0 =	vld [tilespmem:s17+$0x1A7F0]  }
0x1ca: {  	v1 =	vld.idx.msk [tilespmem:v2+s4+$0x0], $0xffff  }
.Ltmp7:
0x1cb: {  	(pc) =	sbr.rel @p1 .LBB2_11-.Ltmp7, $2  }
0x1cc: {  	_ =	sdelay $0x2  }
0x1cd: {  	s19 =	sshra.s32 s18, $0x2;
	s18 =	sadd.s32 $0x400, s18  }
0x1ce: {  	_ =	sdelay $0x1  }
0x1cf: {  	v2 =	vld [tilespmem:s19+$0x1A700]  }
0x1d0: {  	[tilespmem:s17+$0x1C7E0] =	vst v1  }
0x1d1: {  	v0 =	vld.idx.msk [tilespmem:v0+s4+$0x0], $0xffff;
	_ =	sdelay $0x3  }
0x1d2: {  	v1 =	vld [tilespmem:s19+$0x1A710]  }
0x1d3: {  	[tilespmem:s17+$0x1C7F0] =	vst v0  }
0x1d4: {  	v0 =	vld.idx.msk [tilespmem:v2+s4+$0x0], $0xffff;
	_ =	sdelay $0x3  }
0x1d5: {  	v50 =	vld [tilespmem:s19+$0x1A720]  }
0x1d6: {  	[tilespmem:s19+$0x1C700] =	vst v0  }
0x1d7: {  	v1 =	vld.idx.msk [tilespmem:v1+s4+$0x0], $0xffff;
	_ =	sdelay $0x3  }
0x1d8: {  	v51 =	vld [tilespmem:s19+$0x1A730]  }
0x1d9: {  	[tilespmem:s19+$0x1C710] =	vst v1  }
0x1da: {  	v0 =	vld.idx.msk [tilespmem:v50+s4+$0x0], $0xffff;
	_ =	sdelay $0x3  }
0x1db: {  	v52 =	vld [tilespmem:s19+$0x1A740]  }
0x1dc: {  	[tilespmem:s19+$0x1C720] =	vst v0  }
0x1dd: {  	v1 =	vld.idx.msk [tilespmem:v51+s4+$0x0], $0xffff;
	_ =	sdelay $0x3  }
0x1de: {  	v53 =	vld [tilespmem:s19+$0x1A750]  }
0x1df: {  	[tilespmem:s19+$0x1C730] =	vst v1  }
0x1e0: {  	v0 =	vld.idx.msk [tilespmem:v52+s4+$0x0], $0xffff;
	_ =	sdelay $0x3  }
0x1e1: {  	v54 =	vld [tilespmem:s19+$0x1A760]  }
0x1e2: {  	[tilespmem:s19+$0x1C740] =	vst v0  }
0x1e3: {  	v1 =	vld.idx.msk [tilespmem:v53+s4+$0x0], $0xffff;
	_ =	sdelay $0x3  }
0x1e4: {  	v55 =	vld [tilespmem:s19+$0x1A770]  }
0x1e5: {  	[tilespmem:s19+$0x1C750] =	vst v1  }
0x1e6: {  	v0 =	vld.idx.msk [tilespmem:v54+s4+$0x0], $0xffff;
	_ =	sdelay $0x3  }
0x1e7: {  	v56 =	vld [tilespmem:s19+$0x1A780]  }
0x1e8: {  	[tilespmem:s19+$0x1C760] =	vst v0  }
0x1e9: {  	v1 =	vld.idx.msk [tilespmem:v55+s4+$0x0], $0xffff;
	_ =	sdelay $0x3  }
0x1ea: {  	v57 =	vld [tilespmem:s19+$0x1A790]  }
0x1eb: {  	[tilespmem:s19+$0x1C770] =	vst v1  }
0x1ec: {  	v0 =	vld.idx.msk [tilespmem:v56+s4+$0x0], $0xffff;
	_ =	sdelay $0x3  }
0x1ed: {  	v58 =	vld [tilespmem:s19+$0x1A7A0]  }
0x1ee: {  	[tilespmem:s19+$0x1C780] =	vst v0  }
0x1ef: {  	v1 =	vld.idx.msk [tilespmem:v57+s4+$0x0], $0xffff;
	_ =	sdelay $0x3  }
0x1f0: {  	v59 =	vld [tilespmem:s19+$0x1A7B0]  }
0x1f1: {  	[tilespmem:s19+$0x1C790] =	vst v1  }
0x1f2: {  	v0 =	vld.idx.msk [tilespmem:v58+s4+$0x0], $0xffff;
	_ =	sdelay $0x3  }
0x1f3: {  	v60 =	vld [tilespmem:s19+$0x1A7C0]  }
0x1f4: {  	[tilespmem:s19+$0x1C7A0] =	vst v0  }
0x1f5: {  	v1 =	vld.idx.msk [tilespmem:v59+s4+$0x0], $0xffff;
	_ =	sdelay $0x3  }
0x1f6: {  	v61 =	vld [tilespmem:s19+$0x1A7D0]  }
0x1f7: {  	[tilespmem:s19+$0x1C7B0] =	vst v1  }
0x1f8: {  	v0 =	vld.idx.msk [tilespmem:v60+s4+$0x0], $0xffff;
	_ =	sdelay $0x3  }
0x1f9: {  	v62 =	vld [tilespmem:s19+$0x1A7E0]  }
0x1fa: {  	[tilespmem:s19+$0x1C7C0] =	vst v0  }
0x1fb: {  	v1 =	vld.idx.msk [tilespmem:v61+s4+$0x0], $0xffff;
	_ =	sdelay $0x3  }
0x1fc: {  	v63 =	vld [tilespmem:s19+$0x1A7F0]  }
0x1fd: {  	[tilespmem:s19+$0x1C7D0] =	vst v1  }
0x1fe: {  	v0 =	vld.idx.msk [tilespmem:v62+s4+$0x0], $0xffff;
	_ =	sdelay $0x4  }
0x1ff: {  	[tilespmem:s19+$0x1C7E0] =	vst v0  }
0x200: {  	v0 =	vld.idx.msk [tilespmem:v63+s4+$0x0], $0xffff;
	_ =	sdelay $0x4  }
.Ltmp8:
0x201: {  	s31 =	sadd.s32 $0x2000, s9;
	[tilespmem:s19+$0x1C7F0] =	vst v0;
	(pc) =	sbr.rel .LBB2_13-.Ltmp8, $4  }
0x202: {  	[hbm4b:s31+s11] =	stream.strided.scatter [tilespmem:s14], [sflag:$0x1], $0x2000, s12, s11, $0x38;
	[tilespmem:$0x1E700] =	vst v63  }
0x203: {  	_ =	swait.ge [sflag:s13], $0x2000  }
0x204: {  	[sflag:s13] =	ssyncset.done $0x0  }
0x205: {  	[sflag:s13] =	ssyncadd.s32 $0xFFFFE000  }
.LBB2_14:
0x206: {  	_ =	sfence.sel $0x180000  }
0x207: {  	[bflag:$0x0] =	sbarrier.arrive $0xFFFF  }
0x208: {  	p0 =	sne.s32 s0, $0x0;
	_ =	strace $0x90000047  }
0x209: {  	s0 =	sadd.s32 @!p0 $0x100000, s2;
	[bflag:$0x2] =	sbarrier.arrive $0xFFFF  }
0x20a: {  	[sflag:s0] =	ssyncadd.tile.s32 @!p0 $0x1;
	_ =	shalt  }
.Lfunc_end2:
_tile_overlayer_lowered:
.L_overlay_start_2:
0x20b: {  	(tag) =	ssettag $0x2  }
0x20c: {  	s0 =	rddreg [dreg:$0x0];
	s2 =	stileid.u32  }
0x20d: {  	s1 =	rddreg [dreg:$0x1];
	p0 =	sne.s32 s2, $0x0  }
0x20e: {  	s3 =	rddreg [dreg:$0x2];
	[bflag:$0x3] =	sbarrier.arrive $0xFFFF;
	s2 =	simm.s32 @!p0 $0x1C01  }
0x20f: {  	[timem:s3], [sflag:s2] =	dma.local @!p0 [hbm:s0], s1  }
0x210: {  	s0 =	simm.s32 @!p0 $0x1  }
0x211: {  	_ =	swait.ge @!p0 [sflag:s0], s1  }
0x212: {  	s1 =	ssub.s32 @!p0 $0x0, s1;
	[sflag:s0] =	ssyncset.done @!p0 $0x0  }
0x213: {  	[sflag:s0] =	ssyncadd.s32 @!p0 s1  }
0x214: {  	[bflag:$0x3] =	sbarrier.arrive $0xFFFF  }
0x215: {  	_ =	shalt  }

</sc_bundles>
